<compile_context>
chip_gen: v7x
topology: tpu7x:2x2x1
jax: 0.10.2.dev20260603
libtpu: 0.0.44.dev20260713+nightly
codegen_flags: <defaults>
</compile_context>

<pallas_src>
import functools

import jax
import jax.numpy as jnp
from jax import lax
from jax.experimental import pallas as pl
from jax.experimental.pallas import tpu as pltpu
from jax.experimental.pallas import tpu_sc as plsc

EPS = 1e-5

_BN = 1000
_CHUNKS = 5


def _sc_gather(table, idx_flat):
    n_rows, d = table.shape
    b = idx_flat.shape[0]
    nw = 32
    bpw = b // nw
    ch = 200
    nit = bpw // ch
    mesh = plsc.VectorSubcoreMesh(core_axis_name="c", subcore_axis_name="s")

    @functools.partial(
        pl.kernel,
        mesh=mesh,
        compiler_params=pltpu.CompilerParams(use_tc_tiling_on_sc=False),
        out_type=jax.ShapeDtypeStruct((b, d), table.dtype),
        scratch_types=(
            [pltpu.VMEM((ch,), jnp.int32) for _ in range(4)] +
            [pltpu.VMEM((ch, d), table.dtype) for _ in range(4)] +
            [pltpu.SemaphoreType.DMA for _ in range(8)]
        ),
    )
    def gather_kernel(table_hbm, idx_hbm, out_hbm,
                      ix0, ix1, ix2, ix3, rv0, rv1, rv2, rv3,
                      sg0, sg1, sg2, sg3, so0, so1, so2, so3):
        wid = lax.axis_index("s") * 2 + lax.axis_index("c")
        base = wid * bpw
        ixs = (ix0, ix1, ix2, ix3)
        rvs = (rv0, rv1, rv2, rv3)
        sgs = (sg0, sg1, sg2, sg3)
        sos = (so0, so1, so2, so3)

        def body(j, carry):
            offs = [base + (4 * j + k) * ch for k in range(4)]
            pltpu.sync_copy(idx_hbm.at[pl.ds(offs[0], ch)], ixs[0])
            g_prev = pltpu.async_copy(table_hbm.at[ixs[0]], rvs[0], sgs[0])
            outs = []
            for k in range(1, 4):
                pltpu.sync_copy(idx_hbm.at[pl.ds(offs[k], ch)], ixs[k])
                g_prev.wait()
                outs.append(pltpu.async_copy(
                    rvs[k - 1], out_hbm.at[pl.ds(offs[k - 1], ch)],
                    sos[k - 1]))
                g_prev = pltpu.async_copy(table_hbm.at[ixs[k]], rvs[k], sgs[k])
            g_prev.wait()
            outs.append(pltpu.async_copy(
                rvs[3], out_hbm.at[pl.ds(offs[3], ch)], sos[3]))
            for o in outs:
                o.wait()
            return carry

        lax.fori_loop(0, nit // 4, body, 0)

        def tail(i, carry):
            off = base + i * ch
            pltpu.sync_copy(idx_hbm.at[pl.ds(off, ch)], ix0)
            pltpu.async_copy(table_hbm.at[ix0], rv0, sg0).wait()
            pltpu.sync_copy(rv0, out_hbm.at[pl.ds(off, ch)])
            return carry

        lax.fori_loop((nit // 4) * 4, nit, tail, 0)

    return gather_kernel(table, idx_flat)


def _edge_y(atom_ref, g_ref, nbr_ref, wa_ref, wg_ref, wf_ref, b_ref, bn, m):
    ya = jnp.dot(atom_ref[...], wa_ref[...], preferred_element_type=jnp.float32)
    yg = jnp.dot(g_ref[...], wg_ref[...], preferred_element_type=jnp.float32)
    yf = jnp.dot(nbr_ref[...], wf_ref[...], preferred_element_type=jnp.float32)
    y = (yg + yf + b_ref[...]).reshape(bn, m, 128)
    return y + ya[:, None, :]


def _pass1(atom, g2, nbr2, wa, wg, wf, bvec, nc, m):
    bn = _BN
    bm = bn * m
    grid = (nc // bn,)

    def body(atom_ref, g_ref, nbr_ref, wa_ref, wg_ref, wf_ref, b_ref,
             s1_ref, s2_ref):
        y = _edge_y(atom_ref, g_ref, nbr_ref, wa_ref, wg_ref, wf_ref, b_ref,
                    bn, m)
        s1 = jnp.sum(y, axis=(0, 1))[None, :]
        s2 = jnp.sum(y * y, axis=(0, 1))[None, :]

        @pl.when(pl.program_id(0) == 0)
        def _():
            s1_ref[...] = jnp.zeros_like(s1_ref)
            s2_ref[...] = jnp.zeros_like(s2_ref)

        s1_ref[...] += s1
        s2_ref[...] += s2

    return pl.pallas_call(
        body,
        grid=grid,
        in_specs=[
            pl.BlockSpec((bn, 64), lambda i: (i, 0)),
            pl.BlockSpec((bm, 64), lambda i: (i, 0)),
            pl.BlockSpec((bm, 41), lambda i: (i, 0)),
            pl.BlockSpec((64, 128), lambda i: (0, 0)),
            pl.BlockSpec((64, 128), lambda i: (0, 0)),
            pl.BlockSpec((41, 128), lambda i: (0, 0)),
            pl.BlockSpec((1, 128), lambda i: (0, 0)),
        ],
        out_specs=[
            pl.BlockSpec((1, 128), lambda i: (0, 0)),
            pl.BlockSpec((1, 128), lambda i: (0, 0)),
        ],
        out_shape=[jax.ShapeDtypeStruct((1, 128), jnp.float32)] * 2,
    )(atom, g2, nbr2, wa, wg, wf, bvec)


def _pass2(atom, g2, nbr2, wa, wg, wf, bvec, nc, m):
    bn = _BN
    bm = bn * m
    grid = (nc // bn,)

    def body(atom_ref, g_ref, nbr_ref, wa_ref, wg_ref, wf_ref, b_ref,
             s_ref, t1_ref, t2_ref):
        yb = _edge_y(atom_ref, g_ref, nbr_ref, wa_ref, wg_ref, wf_ref, b_ref,
                     bn, m)
        log2e = 1.4426950408889634
        ln2 = 0.6931471805599453
        filt = 1.0 / (1.0 + jnp.exp2(yb[..., :64] * (-log2e)))
        core = jnp.log2(1.0 + jnp.exp2(yb[..., 64:] * log2e)) * ln2
        sb = jnp.sum(filt * core, axis=1)
        s_ref[...] = sb
        t1 = jnp.sum(sb, axis=0)[None, :]
        t2 = jnp.sum(sb * sb, axis=0)[None, :]

        @pl.when(pl.program_id(0) == 0)
        def _():
            t1_ref[...] = jnp.zeros_like(t1_ref)
            t2_ref[...] = jnp.zeros_like(t2_ref)

        t1_ref[...] += t1
        t2_ref[...] += t2

    return pl.pallas_call(
        body,
        grid=grid,
        in_specs=[
            pl.BlockSpec((bn, 64), lambda i: (i, 0)),
            pl.BlockSpec((bm, 64), lambda i: (i, 0)),
            pl.BlockSpec((bm, 41), lambda i: (i, 0)),
            pl.BlockSpec((64, 128), lambda i: (0, 0)),
            pl.BlockSpec((64, 128), lambda i: (0, 0)),
            pl.BlockSpec((41, 128), lambda i: (0, 0)),
            pl.BlockSpec((1, 128), lambda i: (0, 0)),
        ],
        out_specs=[
            pl.BlockSpec((bn, 64), lambda i: (i, 0)),
            pl.BlockSpec((1, 64), lambda i: (0, 0)),
            pl.BlockSpec((1, 64), lambda i: (0, 0)),
        ],
        out_shape=[
            jax.ShapeDtypeStruct((nc, 64), jnp.float32),
            jax.ShapeDtypeStruct((1, 64), jnp.float32),
            jax.ShapeDtypeStruct((1, 64), jnp.float32),
        ],
    )(atom, g2, nbr2, wa, wg, wf, bvec)


def _softplus(x):
    return jnp.maximum(x, 0.0) + jnp.log1p(jnp.exp(-jnp.abs(x)))


def _pass3(atom, s, scale2, shift2, n):
    bn = 5000
    grid = (n // bn,)

    def body(atom_ref, s_ref, sc_ref, sh_ref, out_ref):
        z = atom_ref[...] + s_ref[...] * sc_ref[...] + sh_ref[...]
        out_ref[...] = _softplus(z)

    return pl.pallas_call(
        body,
        grid=grid,
        in_specs=[
            pl.BlockSpec((bn, 64), lambda i: (i, 0)),
            pl.BlockSpec((bn, 64), lambda i: (i, 0)),
            pl.BlockSpec((1, 64), lambda i: (0, 0)),
            pl.BlockSpec((1, 64), lambda i: (0, 0)),
        ],
        out_specs=pl.BlockSpec((bn, 64), lambda i: (i, 0)),
        out_shape=jax.ShapeDtypeStruct((n, 64), jnp.float32),
    )(atom, s, scale2, shift2)


def kernel(atom_fea, nbr_fea, nbr_fea_idx, W_full, b_full,
           bn1_gamma, bn1_beta, bn2_gamma, bn2_beta):
    n, m = nbr_fea_idx.shape
    idx_flat = nbr_fea_idx.reshape(-1).astype(jnp.int32)
    nbr2 = nbr_fea.reshape(n * m, 41).astype(jnp.bfloat16)

    wa = W_full[:, :64].T
    wg = W_full[:, 64:128].T
    wf = W_full[:, 128:].T.astype(jnp.bfloat16)
    bvec = b_full.reshape(1, 128)

    g2 = _sc_gather(atom_fea, idx_flat)

    s1, s2 = _pass1(atom_fea, g2, nbr2, wa, wg, wf, bvec, n, m)
    cnt = float(n * m)
    mean1 = s1 / cnt
    var1 = s2 / cnt - mean1 * mean1
    scale1 = bn1_gamma[None, :] * lax.rsqrt(var1 + EPS)
    shift1 = bn1_beta[None, :] - mean1 * scale1

    wa_2 = wa * scale1
    wg_2 = wg * scale1
    wf_2 = (wf.astype(jnp.float32) * scale1).astype(jnp.bfloat16)
    b_2 = bvec * scale1 + shift1

    s, t1, t2 = _pass2(atom_fea, g2, nbr2, wa_2, wg_2, wf_2, b_2, n, m)
    mean2 = t1 / float(n)
    var2 = t2 / float(n) - mean2 * mean2
    scale2 = bn2_gamma[None, :] * lax.rsqrt(var2 + EPS)
    shift2 = bn2_beta[None, :] - mean2 * scale2

    return _pass3(atom_fea, s, scale2, shift2, n)

# --- scband reference (transcript-rebuilt; emitter-appended) ---
"""Pipeline reference for scband-conv-layer-16320875725528 (READ-ONLY COPY).

The authoritative reference and input builder live on the scoring server;
editing this copy changes nothing except your own understanding.
"""

import jax, jax.numpy as jnp
import numpy as np

EPS = 1e-5

def _batchnorm(x, gamma, beta):
    mean = jnp.mean(x, axis=0)
    var = jnp.var(x, axis=0)
    return gamma * (x - mean) / jnp.sqrt(var + EPS) + beta

def setup_inputs(seed: int = 0) -> dict:
    key = jax.random.key(seed)
    k1, k2, k3, k4, k5 = jax.random.split(key, 5)
    N, M = 50000, 16
    atom_fea = jax.random.normal(k1, (N, 64), dtype=jnp.float32)
    nbr_fea = jax.random.normal(k2, (N, M, 41), dtype=jnp.float32)
    nbr_fea_idx = jax.random.randint(k3, (N, M), 0, N, dtype=jnp.int64) if jax.config.jax_enable_x64 else jax.random.randint(k3, (N, M), 0, N, dtype=jnp.int32)
    bound = 1.0 / np.sqrt(169)
    W_full = jax.random.uniform(k4, (128, 169), minval=-bound, maxval=bound, dtype=jnp.float32)
    b_full = jax.random.uniform(k5, (128,), minval=-bound, maxval=bound, dtype=jnp.float32)
    bn1_gamma = jnp.ones((128,), dtype=jnp.float32)
    bn1_beta = jnp.zeros((128,), dtype=jnp.float32)
    bn2_gamma = jnp.ones((64,), dtype=jnp.float32)
    bn2_beta = jnp.zeros((64,), dtype=jnp.float32)
    return {"atom_fea": atom_fea, "nbr_fea": nbr_fea, "nbr_fea_idx": nbr_fea_idx,
            "W_full": W_full, "b_full": b_full,
            "bn1_gamma": bn1_gamma, "bn1_beta": bn1_beta,
            "bn2_gamma": bn2_gamma, "bn2_beta": bn2_beta}

def reference(atom_fea, nbr_fea, nbr_fea_idx, W_full, b_full, bn1_gamma, bn1_beta, bn2_gamma, bn2_beta):
    N, M = nbr_fea_idx.shape
    atom_nbr_fea = jnp.take(atom_fea, nbr_fea_idx, axis=0)  # gather [N, M, 64]
    A = jnp.broadcast_to(atom_fea[:, None, :], (N, M, 64))
    total_nbr_fea = jnp.concatenate([A, atom_nbr_fea, nbr_fea], axis=2)  # [N, M, 169]
    total_gated_fea = jnp.dot(total_nbr_fea, W_full.T) + b_full  # [N, M, 128]
    total_gated_fea = _batchnorm(total_gated_fea.reshape(-1, 128), bn1_gamma, bn1_beta).reshape(N, M, 128)
    nbr_filter = total_gated_fea[..., :64]
    nbr_core = total_gated_fea[..., 64:]
    nbr_filter = jax.nn.sigmoid(nbr_filter)
    nbr_core = jax.nn.softplus(nbr_core)
    nbr_sumed = jnp.sum(nbr_filter * nbr_core, axis=1)  # [N, 64]
    nbr_sumed = _batchnorm(nbr_sumed, bn2_gamma, bn2_beta)
    out = jax.nn.softplus(atom_fea + nbr_sumed)
    return out

if __name__ == "__main__":
    import jax
    _d = setup_inputs()
    print(jax.jit(kernel)(*tuple(_d.values())))

</pallas_src>

<mosaic_0001>
#map = affine_map<(d0, d1) -> (0, 0)>
#map1 = affine_map<(d0, d1) -> (0)>
module attributes {stable_mosaic.version = 14 : i64} {
  func.func @gather_kernel(%arg0: i32, %arg1: i32, %arg2: memref<50000x64xf32, #tpu.memory_space<hbm>>, %arg3: memref<800000xi32, #tpu.memory_space<hbm>>, %arg4: memref<800000x64xf32, #tpu.memory_space<hbm>>, %arg5: memref<200xi32, #tpu.memory_space<vmem>>, %arg6: memref<200xi32, #tpu.memory_space<vmem>>, %arg7: memref<200xi32, #tpu.memory_space<vmem>>, %arg8: memref<200xi32, #tpu.memory_space<vmem>>, %arg9: memref<200x64xf32, #tpu.memory_space<vmem>>, %arg10: memref<200x64xf32, #tpu.memory_space<vmem>>, %arg11: memref<200x64xf32, #tpu.memory_space<vmem>>, %arg12: memref<200x64xf32, #tpu.memory_space<vmem>>, %arg13: memref<!tpu.dma_semaphore, #tpu.memory_space<semaphore_mem>>, %arg14: memref<!tpu.dma_semaphore, #tpu.memory_space<semaphore_mem>>, %arg15: memref<!tpu.dma_semaphore, #tpu.memory_space<semaphore_mem>>, %arg16: memref<!tpu.dma_semaphore, #tpu.memory_space<semaphore_mem>>, %arg17: memref<!tpu.dma_semaphore, #tpu.memory_space<semaphore_mem>>, %arg18: memref<!tpu.dma_semaphore, #tpu.memory_space<semaphore_mem>>, %arg19: memref<!tpu.dma_semaphore, #tpu.memory_space<semaphore_mem>>, %arg20: memref<!tpu.dma_semaphore, #tpu.memory_space<semaphore_mem>>) attributes {dimension_semantics = [#tpu.dimension_semantics<core_parallel>, #tpu.dimension_semantics<subcore_parallel>], iteration_bounds = array<i64: 2, 16>, scalar_prefetch = 0 : i64, scratch_operands = 16 : i64, tpu.core_type = #tpu.core_type<sc_vector_subcore>, window_params = [{transform_indices = #map}, {transform_indices = #map1}, {transform_indices = #map}]} {
    %mul3A = arith.constant 2 : i32
    %mul3A_0 = arith.muli %arg1, %mul3A : i32
    %add3A = arith.addi %mul3A_0, %arg0 : i32
    %mul3A_1 = arith.constant 25000 : i32
    %mul3A_2 = arith.muli %add3A, %mul3A_1 : i32
    %scan3A = arith.constant 0 : i32
    %scan3A_3 = arith.constant 0 : i32
    %scan3A_4 = arith.constant 31 : i32
    %scan3A_5 = arith.addi %scan3A_3, %scan3A_4 : i32
    %scan3A_6 = arith.constant 1 : i32
    scf.for %scan3A_18 = %scan3A_3 to %scan3A_5 step %scan3A_6  : i32 {
      %mul3A_19 = arith.constant 4 : i32
      %mul3A_20 = arith.muli %mul3A_19, %scan3A_18 : i32
      %add3A_21 = arith.constant 0 : i32
      %add3A_22 = arith.addi %mul3A_20, %add3A_21 : i32
      %mul3A_23 = arith.constant 200 : i32
      %mul3A_24 = arith.muli %add3A_22, %mul3A_23 : i32
      %add3A_25 = arith.addi %mul3A_2, %mul3A_24 : i32
      %mul3A_26 = arith.constant 4 : i32
      %mul3A_27 = arith.muli %mul3A_26, %scan3A_18 : i32
      %add3A_28 = arith.constant 1 : i32
      %add3A_29 = arith.addi %mul3A_27, %add3A_28 : i32
      %mul3A_30 = arith.constant 200 : i32
      %mul3A_31 = arith.muli %add3A_29, %mul3A_30 : i32
      %add3A_32 = arith.addi %mul3A_2, %mul3A_31 : i32
      %mul3A_33 = arith.constant 4 : i32
      %mul3A_34 = arith.muli %mul3A_33, %scan3A_18 : i32
      %add3A_35 = arith.constant 2 : i32
      %add3A_36 = arith.addi %mul3A_34, %add3A_35 : i32
      %mul3A_37 = arith.constant 200 : i32
      %mul3A_38 = arith.muli %add3A_36, %mul3A_37 : i32
      %add3A_39 = arith.addi %mul3A_2, %mul3A_38 : i32
      %mul3A_40 = arith.constant 4 : i32
      %mul3A_41 = arith.muli %mul3A_40, %scan3A_18 : i32
      %add3A_42 = arith.constant 3 : i32
      %add3A_43 = arith.addi %mul3A_41, %add3A_42 : i32
      %mul3A_44 = arith.constant 200 : i32
      %mul3A_45 = arith.muli %add3A_43, %mul3A_44 : i32
      %add3A_46 = arith.addi %mul3A_2, %mul3A_45 : i32
      "tpu.region"() ({
        %run_scoped3A = tpu.sem_alloc : memref<!tpu.dma_semaphore, #tpu.memory_space<semaphore_mem>>
        %dma_start3A_103 = tpu.memref_slice %arg3[%add3A_25] : memref<800000xi32, #tpu.memory_space<hbm>> -> memref<200xi32, #tpu.memory_space<hbm>>
        %dma_start3A_104 = tpu.memref_slice %arg3[%add3A_25] : memref<800000xi32, #tpu.memory_space<hbm>> -> memref<200xi32, #tpu.memory_space<hbm>>
        tpu.enqueue_dma source(%dma_start3A_104 : memref<200xi32, #tpu.memory_space<hbm>>) target(%arg5 : memref<200xi32, #tpu.memory_space<vmem>>) target_semaphore(%run_scoped3A : memref<!tpu.dma_semaphore, #tpu.memory_space<semaphore_mem>>)
        %dma_wait3A_105 = tpu.memref_slice %arg3[%add3A_25] : memref<800000xi32, #tpu.memory_space<hbm>> -> memref<200xi32, #tpu.memory_space<hbm>>
        %dma_wait3A_106 = tpu.memref_slice %arg3[%add3A_25] : memref<800000xi32, #tpu.memory_space<hbm>> -> memref<200xi32, #tpu.memory_space<hbm>>
        tpu.wait_dma2 semaphore(%run_scoped3A : memref<!tpu.dma_semaphore, #tpu.memory_space<semaphore_mem>>) src(%dma_wait3A_106 : memref<200xi32, #tpu.memory_space<hbm>>) dst(%arg5 : memref<200xi32, #tpu.memory_space<vmem>>)
        tpu.yield
      }) : () -> ()
      %dma_start3A_47 = arith.constant 0 : i32
      %dma_start3A_48 = arith.constant 0 : i32
      %dma_start3A_49 = tpu.memref_slice %arg2[%dma_start3A_47, %dma_start3A_48] : memref<50000x64xf32, #tpu.memory_space<hbm>> -> memref<50000x64xf32, #tpu.memory_space<hbm>>
      tpu.enqueue_indirect_dma source(%dma_start3A_49 : memref<50000x64xf32, #tpu.memory_space<hbm>>) target(%arg9 : memref<200x64xf32, #tpu.memory_space<vmem>>) offsets(%arg5 : memref<200xi32, #tpu.memory_space<vmem>>) semaphore(%arg13 : memref<!tpu.dma_semaphore, #tpu.memory_space<semaphore_mem>>)
      "tpu.region"() ({
        %run_scoped3A = tpu.sem_alloc : memref<!tpu.dma_semaphore, #tpu.memory_space<semaphore_mem>>
        %dma_start3A_103 = tpu.memref_slice %arg3[%add3A_32] : memref<800000xi32, #tpu.memory_space<hbm>> -> memref<200xi32, #tpu.memory_space<hbm>>
        %dma_start3A_104 = tpu.memref_slice %arg3[%add3A_32] : memref<800000xi32, #tpu.memory_space<hbm>> -> memref<200xi32, #tpu.memory_space<hbm>>
        tpu.enqueue_dma source(%dma_start3A_104 : memref<200xi32, #tpu.memory_space<hbm>>) target(%arg6 : memref<200xi32, #tpu.memory_space<vmem>>) target_semaphore(%run_scoped3A : memref<!tpu.dma_semaphore, #tpu.memory_space<semaphore_mem>>)
        %dma_wait3A_105 = tpu.memref_slice %arg3[%add3A_32] : memref<800000xi32, #tpu.memory_space<hbm>> -> memref<200xi32, #tpu.memory_space<hbm>>
        %dma_wait3A_106 = tpu.memref_slice %arg3[%add3A_32] : memref<800000xi32, #tpu.memory_space<hbm>> -> memref<200xi32, #tpu.memory_space<hbm>>
        tpu.wait_dma2 semaphore(%run_scoped3A : memref<!tpu.dma_semaphore, #tpu.memory_space<semaphore_mem>>) src(%dma_wait3A_106 : memref<200xi32, #tpu.memory_space<hbm>>) dst(%arg6 : memref<200xi32, #tpu.memory_space<vmem>>)
        tpu.yield
      }) : () -> ()
      %dma_wait3A_50 = arith.constant 0 : i32
      %dma_wait3A_51 = arith.constant 0 : i32
      %dma_wait3A_52 = tpu.memref_slice %arg2[%dma_wait3A_50, %dma_wait3A_51] : memref<50000x64xf32, #tpu.memory_space<hbm>> -> memref<50000x64xf32, #tpu.memory_space<hbm>>
      tpu.wait_indirect_dma semaphore(%arg13 : memref<!tpu.dma_semaphore, #tpu.memory_space<semaphore_mem>>) src(%dma_wait3A_52 : memref<50000x64xf32, #tpu.memory_space<hbm>>) dst(%arg9 : memref<200x64xf32, #tpu.memory_space<vmem>>)
      %dma_start3A_53 = arith.constant 0 : i32
      %dma_start3A_54 = tpu.memref_slice %arg4[%add3A_25, %dma_start3A_53] : memref<800000x64xf32, #tpu.memory_space<hbm>> -> memref<200x64xf32, #tpu.memory_space<hbm>>
      %dma_start3A_55 = arith.constant 0 : i32
      %dma_start3A_56 = tpu.memref_slice %arg4[%add3A_25, %dma_start3A_55] : memref<800000x64xf32, #tpu.memory_space<hbm>> -> memref<200x64xf32, #tpu.memory_space<hbm>>
      tpu.enqueue_dma source(%arg9 : memref<200x64xf32, #tpu.memory_space<vmem>>) target(%dma_start3A_56 : memref<200x64xf32, #tpu.memory_space<hbm>>) target_semaphore(%arg17 : memref<!tpu.dma_semaphore, #tpu.memory_space<semaphore_mem>>)
      %dma_start3A_57 = arith.constant 0 : i32
      %dma_start3A_58 = arith.constant 0 : i32
      %dma_start3A_59 = tpu.memref_slice %arg2[%dma_start3A_57, %dma_start3A_58] : memref<50000x64xf32, #tpu.memory_space<hbm>> -> memref<50000x64xf32, #tpu.memory_space<hbm>>
      tpu.enqueue_indirect_dma source(%dma_start3A_59 : memref<50000x64xf32, #tpu.memory_space<hbm>>) target(%arg10 : memref<200x64xf32, #tpu.memory_space<vmem>>) offsets(%arg6 : memref<200xi32, #tpu.memory_space<vmem>>) semaphore(%arg14 : memref<!tpu.dma_semaphore, #tpu.memory_space<semaphore_mem>>)
      "tpu.region"() ({
        %run_scoped3A = tpu.sem_alloc : memref<!tpu.dma_semaphore, #tpu.memory_space<semaphore_mem>>
        %dma_start3A_103 = tpu.memref_slice %arg3[%add3A_39] : memref<800000xi32, #tpu.memory_space<hbm>> -> memref<200xi32, #tpu.memory_space<hbm>>
        %dma_start3A_104 = tpu.memref_slice %arg3[%add3A_39] : memref<800000xi32, #tpu.memory_space<hbm>> -> memref<200xi32, #tpu.memory_space<hbm>>
        tpu.enqueue_dma source(%dma_start3A_104 : memref<200xi32, #tpu.memory_space<hbm>>) target(%arg7 : memref<200xi32, #tpu.memory_space<vmem>>) target_semaphore(%run_scoped3A : memref<!tpu.dma_semaphore, #tpu.memory_space<semaphore_mem>>)
        %dma_wait3A_105 = tpu.memref_slice %arg3[%add3A_39] : memref<800000xi32, #tpu.memory_space<hbm>> -> memref<200xi32, #tpu.memory_space<hbm>>
        %dma_wait3A_106 = tpu.memref_slice %arg3[%add3A_39] : memref<800000xi32, #tpu.memory_space<hbm>> -> memref<200xi32, #tpu.memory_space<hbm>>
        tpu.wait_dma2 semaphore(%run_scoped3A : memref<!tpu.dma_semaphore, #tpu.memory_space<semaphore_mem>>) src(%dma_wait3A_106 : memref<200xi32, #tpu.memory_space<hbm>>) dst(%arg7 : memref<200xi32, #tpu.memory_space<vmem>>)
        tpu.yield
      }) : () -> ()
      %dma_wait3A_60 = arith.constant 0 : i32
      %dma_wait3A_61 = arith.constant 0 : i32
      %dma_wait3A_62 = tpu.memref_slice %arg2[%dma_wait3A_60, %dma_wait3A_61] : memref<50000x64xf32, #tpu.memory_space<hbm>> -> memref<50000x64xf32, #tpu.memory_space<hbm>>
      tpu.wait_indirect_dma semaphore(%arg14 : memref<!tpu.dma_semaphore, #tpu.memory_space<semaphore_mem>>) src(%dma_wait3A_62 : memref<50000x64xf32, #tpu.memory_space<hbm>>) dst(%arg10 : memref<200x64xf32, #tpu.memory_space<vmem>>)
      %dma_start3A_63 = arith.constant 0 : i32
      %dma_start3A_64 = tpu.memref_slice %arg4[%add3A_32, %dma_start3A_63] : memref<800000x64xf32, #tpu.memory_space<hbm>> -> memref<200x64xf32, #tpu.memory_space<hbm>>
      %dma_start3A_65 = arith.constant 0 : i32
      %dma_start3A_66 = tpu.memref_slice %arg4[%add3A_32, %dma_start3A_65] : memref<800000x64xf32, #tpu.memory_space<hbm>> -> memref<200x64xf32, #tpu.memory_space<hbm>>
      tpu.enqueue_dma source(%arg10 : memref<200x64xf32, #tpu.memory_space<vmem>>) target(%dma_start3A_66 : memref<200x64xf32, #tpu.memory_space<hbm>>) target_semaphore(%arg18 : memref<!tpu.dma_semaphore, #tpu.memory_space<semaphore_mem>>)
      %dma_start3A_67 = arith.constant 0 : i32
      %dma_start3A_68 = arith.constant 0 : i32
      %dma_start3A_69 = tpu.memref_slice %arg2[%dma_start3A_67, %dma_start3A_68] : memref<50000x64xf32, #tpu.memory_space<hbm>> -> memref<50000x64xf32, #tpu.memory_space<hbm>>
      tpu.enqueue_indirect_dma source(%dma_start3A_69 : memref<50000x64xf32, #tpu.memory_space<hbm>>) target(%arg11 : memref<200x64xf32, #tpu.memory_space<vmem>>) offsets(%arg7 : memref<200xi32, #tpu.memory_space<vmem>>) semaphore(%arg15 : memref<!tpu.dma_semaphore, #tpu.memory_space<semaphore_mem>>)
      "tpu.region"() ({
        %run_scoped3A = tpu.sem_alloc : memref<!tpu.dma_semaphore, #tpu.memory_space<semaphore_mem>>
        %dma_start3A_103 = tpu.memref_slice %arg3[%add3A_46] : memref<800000xi32, #tpu.memory_space<hbm>> -> memref<200xi32, #tpu.memory_space<hbm>>
        %dma_start3A_104 = tpu.memref_slice %arg3[%add3A_46] : memref<800000xi32, #tpu.memory_space<hbm>> -> memref<200xi32, #tpu.memory_space<hbm>>
        tpu.enqueue_dma source(%dma_start3A_104 : memref<200xi32, #tpu.memory_space<hbm>>) target(%arg8 : memref<200xi32, #tpu.memory_space<vmem>>) target_semaphore(%run_scoped3A : memref<!tpu.dma_semaphore, #tpu.memory_space<semaphore_mem>>)
        %dma_wait3A_105 = tpu.memref_slice %arg3[%add3A_46] : memref<800000xi32, #tpu.memory_space<hbm>> -> memref<200xi32, #tpu.memory_space<hbm>>
        %dma_wait3A_106 = tpu.memref_slice %arg3[%add3A_46] : memref<800000xi32, #tpu.memory_space<hbm>> -> memref<200xi32, #tpu.memory_space<hbm>>
        tpu.wait_dma2 semaphore(%run_scoped3A : memref<!tpu.dma_semaphore, #tpu.memory_space<semaphore_mem>>) src(%dma_wait3A_106 : memref<200xi32, #tpu.memory_space<hbm>>) dst(%arg8 : memref<200xi32, #tpu.memory_space<vmem>>)
        tpu.yield
      }) : () -> ()
      %dma_wait3A_70 = arith.constant 0 : i32
      %dma_wait3A_71 = arith.constant 0 : i32
      %dma_wait3A_72 = tpu.memref_slice %arg2[%dma_wait3A_70, %dma_wait3A_71] : memref<50000x64xf32, #tpu.memory_space<hbm>> -> memref<50000x64xf32, #tpu.memory_space<hbm>>
      tpu.wait_indirect_dma semaphore(%arg15 : memref<!tpu.dma_semaphore, #tpu.memory_space<semaphore_mem>>) src(%dma_wait3A_72 : memref<50000x64xf32, #tpu.memory_space<hbm>>) dst(%arg11 : memref<200x64xf32, #tpu.memory_space<vmem>>)
      %dma_start3A_73 = arith.constant 0 : i32
      %dma_start3A_74 = tpu.memref_slice %arg4[%add3A_39, %dma_start3A_73] : memref<800000x64xf32, #tpu.memory_space<hbm>> -> memref<200x64xf32, #tpu.memory_space<hbm>>
      %dma_start3A_75 = arith.constant 0 : i32
      %dma_start3A_76 = tpu.memref_slice %arg4[%add3A_39, %dma_start3A_75] : memref<800000x64xf32, #tpu.memory_space<hbm>> -> memref<200x64xf32, #tpu.memory_space<hbm>>
      tpu.enqueue_dma source(%arg11 : memref<200x64xf32, #tpu.memory_space<vmem>>) target(%dma_start3A_76 : memref<200x64xf32, #tpu.memory_space<hbm>>) target_semaphore(%arg19 : memref<!tpu.dma_semaphore, #tpu.memory_space<semaphore_mem>>)
      %dma_start3A_77 = arith.constant 0 : i32
      %dma_start3A_78 = arith.constant 0 : i32
      %dma_start3A_79 = tpu.memref_slice %arg2[%dma_start3A_77, %dma_start3A_78] : memref<50000x64xf32, #tpu.memory_space<hbm>> -> memref<50000x64xf32, #tpu.memory_space<hbm>>
      tpu.enqueue_indirect_dma source(%dma_start3A_79 : memref<50000x64xf32, #tpu.memory_space<hbm>>) target(%arg12 : memref<200x64xf32, #tpu.memory_space<vmem>>) offsets(%arg8 : memref<200xi32, #tpu.memory_space<vmem>>) semaphore(%arg16 : memref<!tpu.dma_semaphore, #tpu.memory_space<semaphore_mem>>)
      %dma_wait3A_80 = arith.constant 0 : i32
      %dma_wait3A_81 = arith.constant 0 : i32
      %dma_wait3A_82 = tpu.memref_slice %arg2[%dma_wait3A_80, %dma_wait3A_81] : memref<50000x64xf32, #tpu.memory_space<hbm>> -> memref<50000x64xf32, #tpu.memory_space<hbm>>
      tpu.wait_indirect_dma semaphore(%arg16 : memref<!tpu.dma_semaphore, #tpu.memory_space<semaphore_mem>>) src(%dma_wait3A_82 : memref<50000x64xf32, #tpu.memory_space<hbm>>) dst(%arg12 : memref<200x64xf32, #tpu.memory_space<vmem>>)
      %dma_start3A_83 = arith.constant 0 : i32
      %dma_start3A_84 = tpu.memref_slice %arg4[%add3A_46, %dma_start3A_83] : memref<800000x64xf32, #tpu.memory_space<hbm>> -> memref<200x64xf32, #tpu.memory_space<hbm>>
      %dma_start3A_85 = arith.constant 0 : i32
      %dma_start3A_86 = tpu.memref_slice %arg4[%add3A_46, %dma_start3A_85] : memref<800000x64xf32, #tpu.memory_space<hbm>> -> memref<200x64xf32, #tpu.memory_space<hbm>>
      tpu.enqueue_dma source(%arg12 : memref<200x64xf32, #tpu.memory_space<vmem>>) target(%dma_start3A_86 : memref<200x64xf32, #tpu.memory_space<hbm>>) target_semaphore(%arg20 : memref<!tpu.dma_semaphore, #tpu.memory_space<semaphore_mem>>)
      %dma_wait3A_87 = arith.constant 0 : i32
      %dma_wait3A_88 = tpu.memref_slice %arg4[%add3A_25, %dma_wait3A_87] : memref<800000x64xf32, #tpu.memory_space<hbm>> -> memref<200x64xf32, #tpu.memory_space<hbm>>
      %dma_wait3A_89 = arith.constant 0 : i32
      %dma_wait3A_90 = tpu.memref_slice %arg4[%add3A_25, %dma_wait3A_89] : memref<800000x64xf32, #tpu.memory_space<hbm>> -> memref<200x64xf32, #tpu.memory_space<hbm>>
      tpu.wait_dma2 semaphore(%arg17 : memref<!tpu.dma_semaphore, #tpu.memory_space<semaphore_mem>>) src(%arg9 : memref<200x64xf32, #tpu.memory_space<vmem>>) dst(%dma_wait3A_90 : memref<200x64xf32, #tpu.memory_space<hbm>>)
      %dma_wait3A_91 = arith.constant 0 : i32
      %dma_wait3A_92 = tpu.memref_slice %arg4[%add3A_32, %dma_wait3A_91] : memref<800000x64xf32, #tpu.memory_space<hbm>> -> memref<200x64xf32, #tpu.memory_space<hbm>>
      %dma_wait3A_93 = arith.constant 0 : i32
      %dma_wait3A_94 = tpu.memref_slice %arg4[%add3A_32, %dma_wait3A_93] : memref<800000x64xf32, #tpu.memory_space<hbm>> -> memref<200x64xf32, #tpu.memory_space<hbm>>
      tpu.wait_dma2 semaphore(%arg18 : memref<!tpu.dma_semaphore, #tpu.memory_space<semaphore_mem>>) src(%arg10 : memref<200x64xf32, #tpu.memory_space<vmem>>) dst(%dma_wait3A_94 : memref<200x64xf32, #tpu.memory_space<hbm>>)
      %dma_wait3A_95 = arith.constant 0 : i32
      %dma_wait3A_96 = tpu.memref_slice %arg4[%add3A_39, %dma_wait3A_95] : memref<800000x64xf32, #tpu.memory_space<hbm>> -> memref<200x64xf32, #tpu.memory_space<hbm>>
      %dma_wait3A_97 = arith.constant 0 : i32
      %dma_wait3A_98 = tpu.memref_slice %arg4[%add3A_39, %dma_wait3A_97] : memref<800000x64xf32, #tpu.memory_space<hbm>> -> memref<200x64xf32, #tpu.memory_space<hbm>>
      tpu.wait_dma2 semaphore(%arg19 : memref<!tpu.dma_semaphore, #tpu.memory_space<semaphore_mem>>) src(%arg11 : memref<200x64xf32, #tpu.memory_space<vmem>>) dst(%dma_wait3A_98 : memref<200x64xf32, #tpu.memory_space<hbm>>)
      %dma_wait3A_99 = arith.constant 0 : i32
      %dma_wait3A_100 = tpu.memref_slice %arg4[%add3A_46, %dma_wait3A_99] : memref<800000x64xf32, #tpu.memory_space<hbm>> -> memref<200x64xf32, #tpu.memory_space<hbm>>
      %dma_wait3A_101 = arith.constant 0 : i32
      %dma_wait3A_102 = tpu.memref_slice %arg4[%add3A_46, %dma_wait3A_101] : memref<800000x64xf32, #tpu.memory_space<hbm>> -> memref<200x64xf32, #tpu.memory_space<hbm>>
      tpu.wait_dma2 semaphore(%arg20 : memref<!tpu.dma_semaphore, #tpu.memory_space<semaphore_mem>>) src(%arg12 : memref<200x64xf32, #tpu.memory_space<vmem>>) dst(%dma_wait3A_102 : memref<200x64xf32, #tpu.memory_space<hbm>>)
    }
    %scan3A_7 = arith.constant 31 : i32
    %scan3A_8 = arith.constant 0 : i32
    %scan3A_9 = arith.constant 124 : i32
    %mul3A_10 = arith.constant 200 : i32
    %mul3A_11 = arith.muli %scan3A_9, %mul3A_10 : i32
    %add3A_12 = arith.addi %mul3A_2, %mul3A_11 : i32
    "tpu.region"() ({
      %run_scoped3A = tpu.sem_alloc : memref<!tpu.dma_semaphore, #tpu.memory_space<semaphore_mem>>
      %dma_start3A_18 = tpu.memref_slice %arg3[%add3A_12] : memref<800000xi32, #tpu.memory_space<hbm>> -> memref<200xi32, #tpu.memory_space<hbm>>
      %dma_start3A_19 = tpu.memref_slice %arg3[%add3A_12] : memref<800000xi32, #tpu.memory_space<hbm>> -> memref<200xi32, #tpu.memory_space<hbm>>
      tpu.enqueue_dma source(%dma_start3A_19 : memref<200xi32, #tpu.memory_space<hbm>>) target(%arg5 : memref<200xi32, #tpu.memory_space<vmem>>) target_semaphore(%run_scoped3A : memref<!tpu.dma_semaphore, #tpu.memory_space<semaphore_mem>>)
      %dma_wait3A_20 = tpu.memref_slice %arg3[%add3A_12] : memref<800000xi32, #tpu.memory_space<hbm>> -> memref<200xi32, #tpu.memory_space<hbm>>
      %dma_wait3A_21 = tpu.memref_slice %arg3[%add3A_12] : memref<800000xi32, #tpu.memory_space<hbm>> -> memref<200xi32, #tpu.memory_space<hbm>>
      tpu.wait_dma2 semaphore(%run_scoped3A : memref<!tpu.dma_semaphore, #tpu.memory_space<semaphore_mem>>) src(%dma_wait3A_21 : memref<200xi32, #tpu.memory_space<hbm>>) dst(%arg5 : memref<200xi32, #tpu.memory_space<vmem>>)
      tpu.yield
    }) : () -> ()
    %dma_start3A = arith.constant 0 : i32
    %dma_start3A_13 = arith.constant 0 : i32
    %dma_start3A_14 = tpu.memref_slice %arg2[%dma_start3A, %dma_start3A_13] : memref<50000x64xf32, #tpu.memory_space<hbm>> -> memref<50000x64xf32, #tpu.memory_space<hbm>>
    tpu.enqueue_indirect_dma source(%dma_start3A_14 : memref<50000x64xf32, #tpu.memory_space<hbm>>) target(%arg9 : memref<200x64xf32, #tpu.memory_space<vmem>>) offsets(%arg5 : memref<200xi32, #tpu.memory_space<vmem>>) semaphore(%arg13 : memref<!tpu.dma_semaphore, #tpu.memory_space<semaphore_mem>>)
    %dma_wait3A = arith.constant 0 : i32
    %dma_wait3A_15 = arith.constant 0 : i32
    %dma_wait3A_16 = tpu.memref_slice %arg2[%dma_wait3A, %dma_wait3A_15] : memref<50000x64xf32, #tpu.memory_space<hbm>> -> memref<50000x64xf32, #tpu.memory_space<hbm>>
    tpu.wait_indirect_dma semaphore(%arg13 : memref<!tpu.dma_semaphore, #tpu.memory_space<semaphore_mem>>) src(%dma_wait3A_16 : memref<50000x64xf32, #tpu.memory_space<hbm>>) dst(%arg9 : memref<200x64xf32, #tpu.memory_space<vmem>>)
    "tpu.region"() ({
      %run_scoped3A = tpu.sem_alloc : memref<!tpu.dma_semaphore, #tpu.memory_space<semaphore_mem>>
      %dma_start3A_18 = arith.constant 0 : i32
      %dma_start3A_19 = tpu.memref_slice %arg4[%add3A_12, %dma_start3A_18] : memref<800000x64xf32, #tpu.memory_space<hbm>> -> memref<200x64xf32, #tpu.memory_space<hbm>>
      %dma_start3A_20 = arith.constant 0 : i32
      %dma_start3A_21 = tpu.memref_slice %arg4[%add3A_12, %dma_start3A_20] : memref<800000x64xf32, #tpu.memory_space<hbm>> -> memref<200x64xf32, #tpu.memory_space<hbm>>
      tpu.enqueue_dma source(%arg9 : memref<200x64xf32, #tpu.memory_space<vmem>>) target(%dma_start3A_21 : memref<200x64xf32, #tpu.memory_space<hbm>>) target_semaphore(%run_scoped3A : memref<!tpu.dma_semaphore, #tpu.memory_space<semaphore_mem>>)
      %dma_wait3A_22 = arith.constant 0 : i32
      %dma_wait3A_23 = tpu.memref_slice %arg4[%add3A_12, %dma_wait3A_22] : memref<800000x64xf32, #tpu.memory_space<hbm>> -> memref<200x64xf32, #tpu.memory_space<hbm>>
      %dma_wait3A_24 = arith.constant 0 : i32
      %dma_wait3A_25 = tpu.memref_slice %arg4[%add3A_12, %dma_wait3A_24] : memref<800000x64xf32, #tpu.memory_space<hbm>> -> memref<200x64xf32, #tpu.memory_space<hbm>>
      tpu.wait_dma2 semaphore(%run_scoped3A : memref<!tpu.dma_semaphore, #tpu.memory_space<semaphore_mem>>) src(%arg9 : memref<200x64xf32, #tpu.memory_space<vmem>>) dst(%dma_wait3A_25 : memref<200x64xf32, #tpu.memory_space<hbm>>)
      tpu.yield
    }) : () -> ()
    %scan3A_17 = arith.constant 1 : i32
    return
  }
}

module attributes {stable_mosaic.version = 14 : i64} {
  func.func @body(%arg0: i32, %arg1: memref<1000x64xf32, #tpu.memory_space<vmem>>, %arg2: memref<16000x64xf32, #tpu.memory_space<vmem>>, %arg3: memref<16000x41xbf16, #tpu.memory_space<vmem>>, %arg4: memref<64x128xf32, #tpu.memory_space<vmem>>, %arg5: memref<64x128xf32, #tpu.memory_space<vmem>>, %arg6: memref<41x128xbf16, #tpu.memory_space<vmem>>, %arg7: memref<1x128xf32, #tpu.memory_space<vmem>>, %arg8: memref<1x128xf32, #tpu.memory_space<vmem>>, %arg9: memref<1x128xf32, #tpu.memory_space<vmem>>) attributes {dimension_semantics = [#tpu.dimension_semantics<arbitrary>], iteration_bounds = array<i64: 50>, scalar_prefetch = 0 : i64, scratch_operands = 0 : i64, tpu.core_type = #tpu.core_type<tc>, window_params = [{transform_indices = @transform_0, window_bounds = array<i64: 1000, 64>}, {transform_indices = @transform_1, window_bounds = array<i64: 16000, 64>}, {transform_indices = @transform_2, window_bounds = array<i64: 16000, 41>}, {pipeline_mode = #tpu.pipeline_mode<synchronous>, transform_indices = @transform_3, window_bounds = array<i64: 64, 128>}, {pipeline_mode = #tpu.pipeline_mode<synchronous>, transform_indices = @transform_4, window_bounds = array<i64: 64, 128>}, {pipeline_mode = #tpu.pipeline_mode<synchronous>, transform_indices = @transform_5, window_bounds = array<i64: 41, 128>}, {pipeline_mode = #tpu.pipeline_mode<synchronous>, transform_indices = @transform_6, window_bounds = array<i64: 1, 128>}, {pipeline_mode = #tpu.pipeline_mode<synchronous>, transform_indices = @transform_7, window_bounds = array<i64: 1, 128>}, {pipeline_mode = #tpu.pipeline_mode<synchronous>, transform_indices = @transform_8, window_bounds = array<i64: 1, 128>}]} {
    %get3A = arith.constant 0 : index
    %get3A_0 = arith.constant 0 : index
    %get3A_1 = vector.load %arg1[%get3A, %get3A_0] : memref<1000x64xf32, #tpu.memory_space<vmem>>, vector<1000x64xf32>
    %get3A_2 = arith.constant 0 : index
    %get3A_3 = arith.constant 0 : index
    %get3A_4 = vector.load %arg4[%get3A_2, %get3A_3] : memref<64x128xf32, #tpu.memory_space<vmem>>, vector<64x128xf32>
    %dot_general3A = arith.constant dense<0.000000e+00> : vector<1000x128xf32>
    %dot_general3A_5 = tpu.matmul %get3A_1, %get3A_4, %dot_general3A {dimension_numbers = #tpu.dot_dimension_numbers<[1], [0], [0], [1], [0, 0, 1, 1], [], []>, transpose_lhs_hint = false} : vector<1000x64xf32>, vector<64x128xf32>, vector<1000x128xf32> -> vector<1000x128xf32>
    %get3A_6 = arith.constant 0 : index
    %get3A_7 = arith.constant 0 : index
    %get3A_8 = vector.load %arg2[%get3A_6, %get3A_7] : memref<16000x64xf32, #tpu.memory_space<vmem>>, vector<16000x64xf32>
    %get3A_9 = arith.constant 0 : index
    %get3A_10 = arith.constant 0 : index
    %get3A_11 = vector.load %arg5[%get3A_9, %get3A_10] : memref<64x128xf32, #tpu.memory_space<vmem>>, vector<64x128xf32>
    %dot_general3A_12 = arith.constant dense<0.000000e+00> : vector<16000x128xf32>
    %dot_general3A_13 = tpu.matmul %get3A_8, %get3A_11, %dot_general3A_12 {dimension_numbers = #tpu.dot_dimension_numbers<[1], [0], [0], [1], [0, 0, 1, 1], [], []>, transpose_lhs_hint = false} : vector<16000x64xf32>, vector<64x128xf32>, vector<16000x128xf32> -> vector<16000x128xf32>
    %get3A_14 = arith.constant 0 : index
    %get3A_15 = arith.constant 0 : index
    %get3A_16 = vector.load %arg3[%get3A_14, %get3A_15] : memref<16000x41xbf16, #tpu.memory_space<vmem>>, vector<16000x41xbf16>
    %get3A_17 = arith.constant 0 : index
    %get3A_18 = arith.constant 0 : index
    %get3A_19 = vector.load %arg6[%get3A_17, %get3A_18] : memref<41x128xbf16, #tpu.memory_space<vmem>>, vector<41x128xbf16>
    %dot_general3A_20 = arith.constant dense<0.000000e+00> : vector<16000x128xf32>
    %dot_general3A_21 = tpu.matmul %get3A_16, %get3A_19, %dot_general3A_20 {dimension_numbers = #tpu.dot_dimension_numbers<[1], [0], [0], [1], [0, 0, 1, 1], [], []>, transpose_lhs_hint = false} : vector<16000x41xbf16>, vector<41x128xbf16>, vector<16000x128xf32> -> vector<16000x128xf32>
    %add3A = arith.addf %dot_general3A_13, %dot_general3A_21 : vector<16000x128xf32>
    %get3A_22 = arith.constant 0 : index
    %get3A_23 = arith.constant 0 : index
    %get3A_24 = vector.load %arg7[%get3A_22, %get3A_23] : memref<1x128xf32, #tpu.memory_space<vmem>>, vector<1x128xf32>
    %add3A_25 = vector.broadcast %get3A_24 : vector<1x128xf32> to vector<16000x128xf32>
    %add3A_26 = arith.addf %add3A, %add3A_25 : vector<16000x128xf32>
    %reshape3A = vector.shape_cast %add3A_26 : vector<16000x128xf32> to vector<1000x16x128xf32>
    %broadcast_in_dim3A = vector.shape_cast %dot_general3A_5 : vector<1000x128xf32> to vector<1000x1x128xf32>
    %add3A_27 = vector.broadcast %broadcast_in_dim3A : vector<1000x1x128xf32> to vector<1000x16x128xf32>
    %add3A_28 = arith.addf %reshape3A, %add3A_27 : vector<1000x16x128xf32>
    %reduce_sum3A = arith.constant dense<0.000000e+00> : vector<128xf32>
    %reduce_sum3A_29 = vector.multi_reduction <add>, %add3A_28, %reduce_sum3A [0, 1] : vector<1000x16x128xf32> to vector<128xf32>
    %broadcast_in_dim3A_30 = vector.shape_cast %reduce_sum3A_29 : vector<128xf32> to vector<1x128xf32>
    %mul3A = arith.mulf %add3A_28, %add3A_28 : vector<1000x16x128xf32>
    %reduce_sum3A_31 = arith.constant dense<0.000000e+00> : vector<128xf32>
    %reduce_sum3A_32 = vector.multi_reduction <add>, %mul3A, %reduce_sum3A_31 [0, 1] : vector<1000x16x128xf32> to vector<128xf32>
    %broadcast_in_dim3A_33 = vector.shape_cast %reduce_sum3A_32 : vector<128xf32> to vector<1x128xf32>
    %eq3A = arith.constant 0 : i32
    %eq3A_34 = arith.cmpi eq, %arg0, %eq3A : i32
    %convert_element_type3A = arith.extui %eq3A_34 : i1 to i32
    %cond3A = arith.constant 0 : i32
    %cond3A_35 = arith.cmpi ne, %convert_element_type3A, %cond3A : i32
    scf.if %cond3A_35 {
      %broadcast_in_dim3A_49 = arith.constant 0.000000e+00 : f32
      %broadcast_in_dim3A_50 = vector.broadcast %broadcast_in_dim3A_49 : f32 to vector<1x128xf32>
      %swap3A_51 = arith.constant 0 : index
      %swap3A_52 = arith.constant 0 : index
      %swap3A_53 = vector.load %arg8[%swap3A_51, %swap3A_52] : memref<1x128xf32, #tpu.memory_space<vmem>>, vector<1x128xf32>
      tpu.vector_store %arg8[%swap3A_51, %swap3A_52], %broadcast_in_dim3A_50 {strides = array<i32>} : memref<1x128xf32, #tpu.memory_space<vmem>>, vector<1x128xf32>,
      %broadcast_in_dim3A_54 = arith.constant 0.000000e+00 : f32
      %broadcast_in_dim3A_55 = vector.broadcast %broadcast_in_dim3A_54 : f32 to vector<1x128xf32>
      %swap3A_56 = arith.constant 0 : index
      %swap3A_57 = arith.constant 0 : index
      %swap3A_58 = vector.load %arg9[%swap3A_56, %swap3A_57] : memref<1x128xf32, #tpu.memory_space<vmem>>, vector<1x128xf32>
      tpu.vector_store %arg9[%swap3A_56, %swap3A_57], %broadcast_in_dim3A_55 {strides = array<i32>} : memref<1x128xf32, #tpu.memory_space<vmem>>, vector<1x128xf32>,
    } else {
    }
    %get3A_36 = arith.constant 0 : index
    %get3A_37 = arith.constant 0 : index
    %get3A_38 = vector.load %arg8[%get3A_36, %get3A_37] : memref<1x128xf32, #tpu.memory_space<vmem>>, vector<1x128xf32>
    %add3A_39 = arith.addf %get3A_38, %broadcast_in_dim3A_30 : vector<1x128xf32>
    %swap3A = arith.constant 0 : index
    %swap3A_40 = arith.constant 0 : index
    %swap3A_41 = vector.load %arg8[%swap3A, %swap3A_40] : memref<1x128xf32, #tpu.memory_space<vmem>>, vector<1x128xf32>
    tpu.vector_store %arg8[%swap3A, %swap3A_40], %add3A_39 {strides = array<i32>} : memref<1x128xf32, #tpu.memory_space<vmem>>, vector<1x128xf32>,
    %get3A_42 = arith.constant 0 : index
    %get3A_43 = arith.constant 0 : index
    %get3A_44 = vector.load %arg9[%get3A_42, %get3A_43] : memref<1x128xf32, #tpu.memory_space<vmem>>, vector<1x128xf32>
    %add3A_45 = arith.addf %get3A_44, %broadcast_in_dim3A_33 : vector<1x128xf32>
    %swap3A_46 = arith.constant 0 : index
    %swap3A_47 = arith.constant 0 : index
    %swap3A_48 = vector.load %arg9[%swap3A_46, %swap3A_47] : memref<1x128xf32, #tpu.memory_space<vmem>>, vector<1x128xf32>
    tpu.vector_store %arg9[%swap3A_46, %swap3A_47], %add3A_45 {strides = array<i32>} : memref<1x128xf32, #tpu.memory_space<vmem>>, vector<1x128xf32>,
    return
  }
  func.func @transform_0(%arg0: i32) -> (i32, i32) {
    %c0_i32 = arith.constant 0 : i32
    %c0_i32_0 = arith.constant 0 : i32
    return %arg0, %c0_i32 : i32, i32
  }
  func.func @transform_1(%arg0: i32) -> (i32, i32) {
    %c0_i32 = arith.constant 0 : i32
    %c0_i32_0 = arith.constant 0 : i32
    return %arg0, %c0_i32 : i32, i32
  }
  func.func @transform_2(%arg0: i32) -> (i32, i32) {
    %c0_i32 = arith.constant 0 : i32
    %c0_i32_0 = arith.constant 0 : i32
    return %arg0, %c0_i32 : i32, i32
  }
  func.func @transform_3(%arg0: i32) -> (i32, i32) {
    %c0_i32 = arith.constant 0 : i32
    %c0_i32_0 = arith.constant 0 : i32
    %c0_i32_1 = arith.constant 0 : i32
    return %c0_i32, %c0_i32_0 : i32, i32
  }
  func.func @transform_4(%arg0: i32) -> (i32, i32) {
    %c0_i32 = arith.constant 0 : i32
    %c0_i32_0 = arith.constant 0 : i32
    %c0_i32_1 = arith.constant 0 : i32
    return %c0_i32, %c0_i32_0 : i32, i32
  }
  func.func @transform_5(%arg0: i32) -> (i32, i32) {
    %c0_i32 = arith.constant 0 : i32
    %c0_i32_0 = arith.constant 0 : i32
    %c0_i32_1 = arith.constant 0 : i32
    return %c0_i32, %c0_i32_0 : i32, i32
  }
  func.func @transform_6(%arg0: i32) -> (i32, i32) {
    %c0_i32 = arith.constant 0 : i32
    %c0_i32_0 = arith.constant 0 : i32
    %c0_i32_1 = arith.constant 0 : i32
    return %c0_i32, %c0_i32_0 : i32, i32
  }
  func.func @transform_7(%arg0: i32) -> (i32, i32) {
    %c0_i32 = arith.constant 0 : i32
    %c0_i32_0 = arith.constant 0 : i32
    %c0_i32_1 = arith.constant 0 : i32
    return %c0_i32, %c0_i32_0 : i32, i32
  }
  func.func @transform_8(%arg0: i32) -> (i32, i32) {
    %c0_i32 = arith.constant 0 : i32
    %c0_i32_0 = arith.constant 0 : i32
    %c0_i32_1 = arith.constant 0 : i32
    return %c0_i32, %c0_i32_0 : i32, i32
  }
}

module attributes {stable_mosaic.version = 14 : i64} {
  func.func @body(%arg0: i32, %arg1: memref<1000x64xf32, #tpu.memory_space<vmem>>, %arg2: memref<16000x64xf32, #tpu.memory_space<vmem>>, %arg3: memref<16000x41xbf16, #tpu.memory_space<vmem>>, %arg4: memref<64x128xf32, #tpu.memory_space<vmem>>, %arg5: memref<64x128xf32, #tpu.memory_space<vmem>>, %arg6: memref<41x128xbf16, #tpu.memory_space<vmem>>, %arg7: memref<1x128xf32, #tpu.memory_space<vmem>>, %arg8: memref<1000x64xf32, #tpu.memory_space<vmem>>, %arg9: memref<1x64xf32, #tpu.memory_space<vmem>>, %arg10: memref<1x64xf32, #tpu.memory_space<vmem>>) attributes {dimension_semantics = [#tpu.dimension_semantics<arbitrary>], iteration_bounds = array<i64: 50>, scalar_prefetch = 0 : i64, scratch_operands = 0 : i64, tpu.core_type = #tpu.core_type<tc>, window_params = [{transform_indices = @transform_0, window_bounds = array<i64: 1000, 64>}, {transform_indices = @transform_1, window_bounds = array<i64: 16000, 64>}, {transform_indices = @transform_2, window_bounds = array<i64: 16000, 41>}, {pipeline_mode = #tpu.pipeline_mode<synchronous>, transform_indices = @transform_3, window_bounds = array<i64: 64, 128>}, {pipeline_mode = #tpu.pipeline_mode<synchronous>, transform_indices = @transform_4, window_bounds = array<i64: 64, 128>}, {pipeline_mode = #tpu.pipeline_mode<synchronous>, transform_indices = @transform_5, window_bounds = array<i64: 41, 128>}, {pipeline_mode = #tpu.pipeline_mode<synchronous>, transform_indices = @transform_6, window_bounds = array<i64: 1, 128>}, {transform_indices = @transform_7, window_bounds = array<i64: 1000, 64>}, {pipeline_mode = #tpu.pipeline_mode<synchronous>, transform_indices = @transform_8, window_bounds = array<i64: 1, 64>}, {pipeline_mode = #tpu.pipeline_mode<synchronous>, transform_indices = @transform_9, window_bounds = array<i64: 1, 64>}]} {
    %get3A = arith.constant 0 : index
    %get3A_0 = arith.constant 0 : index
    %get3A_1 = vector.load %arg1[%get3A, %get3A_0] : memref<1000x64xf32, #tpu.memory_space<vmem>>, vector<1000x64xf32>
    %get3A_2 = arith.constant 0 : index
    %get3A_3 = arith.constant 0 : index
    %get3A_4 = vector.load %arg4[%get3A_2, %get3A_3] : memref<64x128xf32, #tpu.memory_space<vmem>>, vector<64x128xf32>
    %dot_general3A = arith.constant dense<0.000000e+00> : vector<1000x128xf32>
    %dot_general3A_5 = tpu.matmul %get3A_1, %get3A_4, %dot_general3A {dimension_numbers = #tpu.dot_dimension_numbers<[1], [0], [0], [1], [0, 0, 1, 1], [], []>, transpose_lhs_hint = false} : vector<1000x64xf32>, vector<64x128xf32>, vector<1000x128xf32> -> vector<1000x128xf32>
    %get3A_6 = arith.constant 0 : index
    %get3A_7 = arith.constant 0 : index
    %get3A_8 = vector.load %arg2[%get3A_6, %get3A_7] : memref<16000x64xf32, #tpu.memory_space<vmem>>, vector<16000x64xf32>
    %get3A_9 = arith.constant 0 : index
    %get3A_10 = arith.constant 0 : index
    %get3A_11 = vector.load %arg5[%get3A_9, %get3A_10] : memref<64x128xf32, #tpu.memory_space<vmem>>, vector<64x128xf32>
    %dot_general3A_12 = arith.constant dense<0.000000e+00> : vector<16000x128xf32>
    %dot_general3A_13 = tpu.matmul %get3A_8, %get3A_11, %dot_general3A_12 {dimension_numbers = #tpu.dot_dimension_numbers<[1], [0], [0], [1], [0, 0, 1, 1], [], []>, transpose_lhs_hint = false} : vector<16000x64xf32>, vector<64x128xf32>, vector<16000x128xf32> -> vector<16000x128xf32>
    %get3A_14 = arith.constant 0 : index
    %get3A_15 = arith.constant 0 : index
    %get3A_16 = vector.load %arg3[%get3A_14, %get3A_15] : memref<16000x41xbf16, #tpu.memory_space<vmem>>, vector<16000x41xbf16>
    %get3A_17 = arith.constant 0 : index
    %get3A_18 = arith.constant 0 : index
    %get3A_19 = vector.load %arg6[%get3A_17, %get3A_18] : memref<41x128xbf16, #tpu.memory_space<vmem>>, vector<41x128xbf16>
    %dot_general3A_20 = arith.constant dense<0.000000e+00> : vector<16000x128xf32>
    %dot_general3A_21 = tpu.matmul %get3A_16, %get3A_19, %dot_general3A_20 {dimension_numbers = #tpu.dot_dimension_numbers<[1], [0], [0], [1], [0, 0, 1, 1], [], []>, transpose_lhs_hint = false} : vector<16000x41xbf16>, vector<41x128xbf16>, vector<16000x128xf32> -> vector<16000x128xf32>
    %add3A = arith.addf %dot_general3A_13, %dot_general3A_21 : vector<16000x128xf32>
    %get3A_22 = arith.constant 0 : index
    %get3A_23 = arith.constant 0 : index
    %get3A_24 = vector.load %arg7[%get3A_22, %get3A_23] : memref<1x128xf32, #tpu.memory_space<vmem>>, vector<1x128xf32>
    %add3A_25 = vector.broadcast %get3A_24 : vector<1x128xf32> to vector<16000x128xf32>
    %add3A_26 = arith.addf %add3A, %add3A_25 : vector<16000x128xf32>
    %reshape3A = vector.shape_cast %add3A_26 : vector<16000x128xf32> to vector<1000x16x128xf32>
    %broadcast_in_dim3A = vector.shape_cast %dot_general3A_5 : vector<1000x128xf32> to vector<1000x1x128xf32>
    %add3A_27 = vector.broadcast %broadcast_in_dim3A : vector<1000x1x128xf32> to vector<1000x16x128xf32>
    %add3A_28 = arith.addf %reshape3A, %add3A_27 : vector<1000x16x128xf32>
    %slice3A = vector.extract_strided_slice %add3A_28 {offsets = [0, 0, 0], sizes = [1000, 16, 64], strides = [1, 1, 1]} : vector<1000x16x128xf32> to vector<1000x16x64xf32>
    %mul3A = arith.constant -1.44269502 : f32
    %mul3A_29 = vector.broadcast %mul3A : f32 to vector<1000x16x64xf32>
    %mul3A_30 = arith.mulf %slice3A, %mul3A_29 : vector<1000x16x64xf32>
    %exp23A = math.exp2 %mul3A_30 : vector<1000x16x64xf32>
    %add3A_31 = arith.constant 1.000000e+00 : f32
    %add3A_32 = vector.broadcast %add3A_31 : f32 to vector<1000x16x64xf32>
    %add3A_33 = arith.addf %add3A_32, %exp23A : vector<1000x16x64xf32>
    %div3A = arith.constant 1.000000e+00 : f32
    %div3A_34 = vector.broadcast %div3A : f32 to vector<1000x16x64xf32>
    %div3A_35 = arith.divf %div3A_34, %add3A_33 : vector<1000x16x64xf32>
    %slice3A_36 = vector.extract_strided_slice %add3A_28 {offsets = [0, 0, 64], sizes = [1000, 16, 64], strides = [1, 1, 1]} : vector<1000x16x128xf32> to vector<1000x16x64xf32>
    %mul3A_37 = arith.constant 1.44269502 : f32
    %mul3A_38 = vector.broadcast %mul3A_37 : f32 to vector<1000x16x64xf32>
    %mul3A_39 = arith.mulf %slice3A_36, %mul3A_38 : vector<1000x16x64xf32>
    %exp23A_40 = math.exp2 %mul3A_39 : vector<1000x16x64xf32>
    %add3A_41 = arith.constant 1.000000e+00 : f32
    %add3A_42 = vector.broadcast %add3A_41 : f32 to vector<1000x16x64xf32>
    %add3A_43 = arith.addf %add3A_42, %exp23A_40 : vector<1000x16x64xf32>
    %log3A = math.log %add3A_43 : vector<1000x16x64xf32>
    %log3A_44 = arith.constant 2.000000e+00 : f32
    %log3A_45 = math.log %log3A_44 : f32
    %div3A_46 = vector.broadcast %log3A_45 : f32 to vector<1000x16x64xf32>
    %div3A_47 = arith.divf %log3A, %div3A_46 : vector<1000x16x64xf32>
    %mul3A_48 = arith.constant 0.693147182 : f32
    %mul3A_49 = vector.broadcast %mul3A_48 : f32 to vector<1000x16x64xf32>
    %mul3A_50 = arith.mulf %div3A_47, %mul3A_49 : vector<1000x16x64xf32>
    %mul3A_51 = arith.mulf %div3A_35, %mul3A_50 : vector<1000x16x64xf32>
    %reduce_sum3A = arith.constant dense<0.000000e+00> : vector<1000x64xf32>
    %reduce_sum3A_52 = vector.multi_reduction <add>, %mul3A_51, %reduce_sum3A [1] : vector<1000x16x64xf32> to vector<1000x64xf32>
    %swap3A = arith.constant 0 : index
    %swap3A_53 = arith.constant 0 : index
    %swap3A_54 = vector.load %arg8[%swap3A, %swap3A_53] : memref<1000x64xf32, #tpu.memory_space<vmem>>, vector<1000x64xf32>
    tpu.vector_store %arg8[%swap3A, %swap3A_53], %reduce_sum3A_52 {strides = array<i32>} : memref<1000x64xf32, #tpu.memory_space<vmem>>, vector<1000x64xf32>,
    %reduce_sum3A_55 = arith.constant dense<0.000000e+00> : vector<64xf32>
    %reduce_sum3A_56 = vector.multi_reduction <add>, %reduce_sum3A_52, %reduce_sum3A_55 [0] : vector<1000x64xf32> to vector<64xf32>
    %broadcast_in_dim3A_57 = vector.shape_cast %reduce_sum3A_56 : vector<64xf32> to vector<1x64xf32>
    %mul3A_58 = arith.mulf %reduce_sum3A_52, %reduce_sum3A_52 : vector<1000x64xf32>
    %reduce_sum3A_59 = arith.constant dense<0.000000e+00> : vector<64xf32>
    %reduce_sum3A_60 = vector.multi_reduction <add>, %mul3A_58, %reduce_sum3A_59 [0] : vector<1000x64xf32> to vector<64xf32>
    %broadcast_in_dim3A_61 = vector.shape_cast %reduce_sum3A_60 : vector<64xf32> to vector<1x64xf32>
    %eq3A = arith.constant 0 : i32
    %eq3A_62 = arith.cmpi eq, %arg0, %eq3A : i32
    %convert_element_type3A = arith.extui %eq3A_62 : i1 to i32
    %cond3A = arith.constant 0 : i32
    %cond3A_63 = arith.cmpi ne, %convert_element_type3A, %cond3A : i32
    scf.if %cond3A_63 {
      %broadcast_in_dim3A_78 = arith.constant 0.000000e+00 : f32
      %broadcast_in_dim3A_79 = vector.broadcast %broadcast_in_dim3A_78 : f32 to vector<1x64xf32>
      %swap3A_80 = arith.constant 0 : index
      %swap3A_81 = arith.constant 0 : index
      %swap3A_82 = vector.load %arg9[%swap3A_80, %swap3A_81] : memref<1x64xf32, #tpu.memory_space<vmem>>, vector<1x64xf32>
      tpu.vector_store %arg9[%swap3A_80, %swap3A_81], %broadcast_in_dim3A_79 {strides = array<i32>} : memref<1x64xf32, #tpu.memory_space<vmem>>, vector<1x64xf32>,
      %broadcast_in_dim3A_83 = arith.constant 0.000000e+00 : f32
      %broadcast_in_dim3A_84 = vector.broadcast %broadcast_in_dim3A_83 : f32 to vector<1x64xf32>
      %swap3A_85 = arith.constant 0 : index
      %swap3A_86 = arith.constant 0 : index
      %swap3A_87 = vector.load %arg10[%swap3A_85, %swap3A_86] : memref<1x64xf32, #tpu.memory_space<vmem>>, vector<1x64xf32>
      tpu.vector_store %arg10[%swap3A_85, %swap3A_86], %broadcast_in_dim3A_84 {strides = array<i32>} : memref<1x64xf32, #tpu.memory_space<vmem>>, vector<1x64xf32>,
    } else {
    }
    %get3A_64 = arith.constant 0 : index
    %get3A_65 = arith.constant 0 : index
    %get3A_66 = vector.load %arg9[%get3A_64, %get3A_65] : memref<1x64xf32, #tpu.memory_space<vmem>>, vector<1x64xf32>
    %add3A_67 = arith.addf %get3A_66, %broadcast_in_dim3A_57 : vector<1x64xf32>
    %swap3A_68 = arith.constant 0 : index
    %swap3A_69 = arith.constant 0 : index
    %swap3A_70 = vector.load %arg9[%swap3A_68, %swap3A_69] : memref<1x64xf32, #tpu.memory_space<vmem>>, vector<1x64xf32>
    tpu.vector_store %arg9[%swap3A_68, %swap3A_69], %add3A_67 {strides = array<i32>} : memref<1x64xf32, #tpu.memory_space<vmem>>, vector<1x64xf32>,
    %get3A_71 = arith.constant 0 : index
    %get3A_72 = arith.constant 0 : index
    %get3A_73 = vector.load %arg10[%get3A_71, %get3A_72] : memref<1x64xf32, #tpu.memory_space<vmem>>, vector<1x64xf32>
    %add3A_74 = arith.addf %get3A_73, %broadcast_in_dim3A_61 : vector<1x64xf32>
    %swap3A_75 = arith.constant 0 : index
    %swap3A_76 = arith.constant 0 : index
    %swap3A_77 = vector.load %arg10[%swap3A_75, %swap3A_76] : memref<1x64xf32, #tpu.memory_space<vmem>>, vector<1x64xf32>
    tpu.vector_store %arg10[%swap3A_75, %swap3A_76], %add3A_74 {strides = array<i32>} : memref<1x64xf32, #tpu.memory_space<vmem>>, vector<1x64xf32>,
    return
  }
  func.func @transform_0(%arg0: i32) -> (i32, i32) {
    %c0_i32 = arith.constant 0 : i32
    %c0_i32_0 = arith.constant 0 : i32
    return %arg0, %c0_i32 : i32, i32
  }
  func.func @transform_1(%arg0: i32) -> (i32, i32) {
    %c0_i32 = arith.constant 0 : i32
    %c0_i32_0 = arith.constant 0 : i32
    return %arg0, %c0_i32 : i32, i32
  }
  func.func @transform_2(%arg0: i32) -> (i32, i32) {
    %c0_i32 = arith.constant 0 : i32
    %c0_i32_0 = arith.constant 0 : i32
    return %arg0, %c0_i32 : i32, i32
  }
  func.func @transform_3(%arg0: i32) -> (i32, i32) {
    %c0_i32 = arith.constant 0 : i32
    %c0_i32_0 = arith.constant 0 : i32
    %c0_i32_1 = arith.constant 0 : i32
    return %c0_i32, %c0_i32_0 : i32, i32
  }
  func.func @transform_4(%arg0: i32) -> (i32, i32) {
    %c0_i32 = arith.constant 0 : i32
    %c0_i32_0 = arith.constant 0 : i32
    %c0_i32_1 = arith.constant 0 : i32
    return %c0_i32, %c0_i32_0 : i32, i32
  }
  func.func @transform_5(%arg0: i32) -> (i32, i32) {
    %c0_i32 = arith.constant 0 : i32
    %c0_i32_0 = arith.constant 0 : i32
    %c0_i32_1 = arith.constant 0 : i32
    return %c0_i32, %c0_i32_0 : i32, i32
  }
  func.func @transform_6(%arg0: i32) -> (i32, i32) {
    %c0_i32 = arith.constant 0 : i32
    %c0_i32_0 = arith.constant 0 : i32
    %c0_i32_1 = arith.constant 0 : i32
    return %c0_i32, %c0_i32_0 : i32, i32
  }
  func.func @transform_7(%arg0: i32) -> (i32, i32) {
    %c0_i32 = arith.constant 0 : i32
    %c0_i32_0 = arith.constant 0 : i32
    return %arg0, %c0_i32 : i32, i32
  }
  func.func @transform_8(%arg0: i32) -> (i32, i32) {
    %c0_i32 = arith.constant 0 : i32
    %c0_i32_0 = arith.constant 0 : i32
    %c0_i32_1 = arith.constant 0 : i32
    return %c0_i32, %c0_i32_0 : i32, i32
  }
  func.func @transform_9(%arg0: i32) -> (i32, i32) {
    %c0_i32 = arith.constant 0 : i32
    %c0_i32_0 = arith.constant 0 : i32
    %c0_i32_1 = arith.constant 0 : i32
    return %c0_i32, %c0_i32_0 : i32, i32
  }
}

module attributes {stable_mosaic.version = 14 : i64} {
  func.func @body(%arg0: i32, %arg1: memref<5000x64xf32, #tpu.memory_space<vmem>>, %arg2: memref<5000x64xf32, #tpu.memory_space<vmem>>, %arg3: memref<1x64xf32, #tpu.memory_space<vmem>>, %arg4: memref<1x64xf32, #tpu.memory_space<vmem>>, %arg5: memref<5000x64xf32, #tpu.memory_space<vmem>>) attributes {dimension_semantics = [#tpu.dimension_semantics<arbitrary>], iteration_bounds = array<i64: 10>, scalar_prefetch = 0 : i64, scratch_operands = 0 : i64, tpu.core_type = #tpu.core_type<tc>, window_params = [{transform_indices = @transform_0, window_bounds = array<i64: 5000, 64>}, {transform_indices = @transform_1, window_bounds = array<i64: 5000, 64>}, {pipeline_mode = #tpu.pipeline_mode<synchronous>, transform_indices = @transform_2, window_bounds = array<i64: 1, 64>}, {pipeline_mode = #tpu.pipeline_mode<synchronous>, transform_indices = @transform_3, window_bounds = array<i64: 1, 64>}, {transform_indices = @transform_4, window_bounds = array<i64: 5000, 64>}]} {
    %get3A = arith.constant 0 : index
    %get3A_0 = arith.constant 0 : index
    %get3A_1 = vector.load %arg1[%get3A, %get3A_0] : memref<5000x64xf32, #tpu.memory_space<vmem>>, vector<5000x64xf32>
    %get3A_2 = arith.constant 0 : index
    %get3A_3 = arith.constant 0 : index
    %get3A_4 = vector.load %arg2[%get3A_2, %get3A_3] : memref<5000x64xf32, #tpu.memory_space<vmem>>, vector<5000x64xf32>
    %get3A_5 = arith.constant 0 : index
    %get3A_6 = arith.constant 0 : index
    %get3A_7 = vector.load %arg3[%get3A_5, %get3A_6] : memref<1x64xf32, #tpu.memory_space<vmem>>, vector<1x64xf32>
    %mul3A = vector.broadcast %get3A_7 : vector<1x64xf32> to vector<5000x64xf32>
    %mul3A_8 = arith.mulf %get3A_4, %mul3A : vector<5000x64xf32>
    %add3A = arith.addf %get3A_1, %mul3A_8 : vector<5000x64xf32>
    %get3A_9 = arith.constant 0 : index
    %get3A_10 = arith.constant 0 : index
    %get3A_11 = vector.load %arg4[%get3A_9, %get3A_10] : memref<1x64xf32, #tpu.memory_space<vmem>>, vector<1x64xf32>
    %add3A_12 = vector.broadcast %get3A_11 : vector<1x64xf32> to vector<5000x64xf32>
    %add3A_13 = arith.addf %add3A, %add3A_12 : vector<5000x64xf32>
    %max3A = arith.constant 0.000000e+00 : f32
    %max3A_14 = vector.broadcast %max3A : f32 to vector<5000x64xf32>
    %max3A_15 = arith.maximumf %add3A_13, %max3A_14 : vector<5000x64xf32>
    %abs3A = math.absf %add3A_13 : vector<5000x64xf32>
    %neg3A = arith.constant 0.000000e+00 : f32
    %neg3A_16 = vector.broadcast %neg3A : f32 to vector<5000x64xf32>
    %neg3A_17 = arith.subf %neg3A_16, %abs3A : vector<5000x64xf32>
    %exp3A = math.exp %neg3A_17 : vector<5000x64xf32>
    %log1p3A = math.log1p %exp3A : vector<5000x64xf32>
    %add3A_18 = arith.addf %max3A_15, %log1p3A : vector<5000x64xf32>
    %swap3A = arith.constant 0 : index
    %swap3A_19 = arith.constant 0 : index
    %swap3A_20 = vector.load %arg5[%swap3A, %swap3A_19] : memref<5000x64xf32, #tpu.memory_space<vmem>>, vector<5000x64xf32>
    tpu.vector_store %arg5[%swap3A, %swap3A_19], %add3A_18 {strides = array<i32>} : memref<5000x64xf32, #tpu.memory_space<vmem>>, vector<5000x64xf32>,
    return
  }
  func.func @transform_0(%arg0: i32) -> (i32, i32) {
    %c0_i32 = arith.constant 0 : i32
    %c0_i32_0 = arith.constant 0 : i32
    return %arg0, %c0_i32 : i32, i32
  }
  func.func @transform_1(%arg0: i32) -> (i32, i32) {
    %c0_i32 = arith.constant 0 : i32
    %c0_i32_0 = arith.constant 0 : i32
    return %arg0, %c0_i32 : i32, i32
  }
  func.func @transform_2(%arg0: i32) -> (i32, i32) {
    %c0_i32 = arith.constant 0 : i32
    %c0_i32_0 = arith.constant 0 : i32
    %c0_i32_1 = arith.constant 0 : i32
    return %c0_i32, %c0_i32_0 : i32, i32
  }
  func.func @transform_3(%arg0: i32) -> (i32, i32) {
    %c0_i32 = arith.constant 0 : i32
    %c0_i32_0 = arith.constant 0 : i32
    %c0_i32_1 = arith.constant 0 : i32
    return %c0_i32, %c0_i32_0 : i32, i32
  }
  func.func @transform_4(%arg0: i32) -> (i32, i32) {
    %c0_i32 = arith.constant 0 : i32
    %c0_i32_0 = arith.constant 0 : i32
    return %arg0, %c0_i32 : i32, i32
  }
}

</mosaic_0001>

<sc_bundles>
// kernel: kernel.6.cloned.1.call-start
scs
__scs_entry_jumppad:
0x0: {  	(pc) =	sbr.rel $0x88, $3  }
0x1: {  	(tag) =	ssettag $0x0;
	lr =	simm.s32 $0x1  }
0x2: {  	[smem:$0x3F98] =	sst lr;
	_ =	strace $0xD0000000  }
0x3: {  	_ = 	snop  }
0x4: {  	_ = 	snop  }
0x5: {  	_ = 	snop  }
0x6: {  	_ = 	snop  }
0x7: {  	_ = 	snop  }
__scs_overlays_trampoline_lowered:
0x8: {  	[smem:$0x3FA7] =	sst s0  }
0x9: {  	[smem:$0x3FA8] =	sst s1  }
0xa: {  	[smem:$0x3FA9] =	sst s2  }
0xb: {  	[smem:$0x3FAA] =	sst s3  }
0xc: {  	[smem:$0x3FAB] =	sst s4  }
0xd: {  	[smem:$0x3FAC] =	sst s5  }
0xe: {  	[smem:$0x3FAD] =	sst s6  }
0xf: {  	[smem:$0x3FAE] =	sst s7  }
0x10: {  	[smem:$0x3FAF] =	sst s8  }
0x11: {  	[smem:$0x3FB0] =	sst s9;
	s0 =	simm.s32 @!p0 $0x0  }
0x12: {  	s1 =	sld [smem:$0x3F96];
	s0 =	simm.s32 @p0 $0x1  }
0x13: {  	[smem:$0x3FB1] =	sst s0;
	s0 =	simm.s32 @!p1 $0x0  }
0x14: {  	s2 =	sld [smem:$0x3F95];
	s0 =	simm.s32 @p1 $0x1  }
0x15: {  	[smem:$0x3FB2] =	sst s0;
	s0 =	simm.s32 @!p2 $0x0  }
0x16: {  	s3 =	sld [smem:$0x3FDB];
	s0 =	simm.s32 @p2 $0x1  }
0x17: {  	s4 =	simm.s32 $0x1BF5;
	[smem:$0x3FB4] =	sst s0  }
0x18: {  	s0 =	sld [smem:$0x3F97];
	_ =	swait.ge [sflag:s4], $0x0  }
0x19: {  	s7 =	sld [smem:$0x3F98]  }
0x1a: {  	s8 =	sadd.s32 $0xFFFFE003, lr  }
0x1b: {  	s9 =	sadd.s32 $0xFFFFFEF7, lr;
	s5 =	simm.s32 $0xFFFFFFFF;
	p2 =	slt.u32 s8, $0xFFFFF086  }
0x1c: {  	p1 =	slt.u32 s9, $0xF7A;
	s5 =	simm.s32 @!p2 $0x0  }
0x1d: {  	s5 =	simm.s32 @p1 $0x1;
	p0 =	seq.s32 s7, s2  }
0x1e: {  	s7 =	smul.u32 @!p0 $0xF7A, s2;
	p2 =	seq.s32 @!p0 s5, $0x0  }
0x1f: {  	s9 =	smul.u32 $0xF7A, s1;
	s8 =	simm.s32 @!p0 $0x1BF5;
	p2 =	por !p2, p0  }
0x20: {  	[sflag:s8] =	ssyncset.s32 @!p0 $0xFFFFF086;
	s6 =	sadd.s32 @!p0 s3, s7;
	s7 =	simm.s32 @!p0 $0x108  }
0x21: {  	s3 =	sadd.s32 s3, s9;
	s6 =	sadd.s32 @!p0 $0x88, s6;
	s7 =	simm.s32 @p2 $0x1082  }
0x22: {  	[simem:s7], [sflag:s8] =	dma.local @!p0 [hbm:s6], $0xF7A  }
0x23: {  	s9 =	sor.u32 $0xD0000000, s2;
	s6 =	simm.s32 $0x108;
	_ =	swait.ge @!p0 [sflag:s8], $0x0  }
0x24: {  	s3 =	sadd.s32 $0x88, s3;
	s6 =	simm.s32 @!p1 $0x1082;
	[sflag:s4] =	ssyncset.s32 $0xFFFFF086  }
0x25: {  	[simem:s6], [sflag:s4] =	dma.local [hbm:s3], $0xF7A  }
0x26: {  	[smem:$0x3F98] =	sst s1;
	(tag) =	ssettag s2;
	_ =	strace s9  }
0x27: {  	s1 =	sld [smem:$0x3FA8]  }
0x28: {  	s2 =	sld [smem:$0x3FA9]  }
0x29: {  	s4 =	sld [smem:$0x3FAB]  }
0x2a: {  	p0 =	seq.s32 s5, $0x0;
	s5 =	sld [smem:$0x3FAC]  }
0x2b: {  	s6 =	sld [smem:$0x3FAD]  }
0x2c: {  	s7 =	sld [smem:$0x3FAE]  }
0x2d: {  	s3 =	simm.s32 $0x108;
	s8 =	sld [smem:$0x3FAF]  }
0x2e: {  	s3 =	simm.s32 @!p0 $0x1082;
	s9 =	sld [smem:$0x3FB0]  }
0x2f: {  	lr =	sadd.s32 s0, s3;
	s0 =	sld [smem:$0x3FA7]  }
0x30: {  	s3 =	sld [smem:$0x3FAA]  }
0x31: {  	[smem:$0x3FB3] =	sst s10  }
0x32: {  	s10 =	sld [smem:$0x3FB1];
	_ =	sdelay $0x3  }
0x33: {  	p0 =	seq.s32 s10, $0x1;
	s10 =	sld [smem:$0x3FB3];
	_ =	sdelay $0x3  }
0x34: {  	[smem:$0x3FB3] =	sst s10  }
0x35: {  	s10 =	sld [smem:$0x3FB2];
	_ =	sdelay $0x3  }
0x36: {  	p1 =	seq.s32 s10, $0x1;
	s10 =	sld [smem:$0x3FB3];
	_ =	sdelay $0x3  }
0x37: {  	[smem:$0x3FB3] =	sst s10  }
0x38: {  	s10 =	sld [smem:$0x3FB4]  }
0x39: {  	_ = 	snop;
	(pc) =	sbr.ind lr, $3  }
0x3a: {  	_ = 	snop  }
0x3b: {  	_ = 	snop  }
0x3c: {  	p2 =	seq.s32 s10, $0x1;
	s10 =	sld [smem:$0x3FB3]  }
0x3d: {  	_ =	shalt  }
0x3e: {  	_ =	shalt  }
0x3f: {  	_ =	shalt  }
0x40: {  	_ =	shalt  }
0x41: {  	_ =	shalt  }
0x42: {  	_ =	shalt  }
0x43: {  	_ =	shalt  }
0x44: {  	_ =	shalt  }
0x45: {  	_ =	shalt  }
0x46: {  	_ =	shalt  }
0x47: {  	_ =	shalt  }
0x48: {  	_ =	shalt  }
0x49: {  	_ =	shalt  }
0x4a: {  	_ =	shalt  }
0x4b: {  	_ =	shalt  }
0x4c: {  	_ =	shalt  }
0x4d: {  	_ =	shalt  }
0x4e: {  	_ =	shalt  }
0x4f: {  	_ =	shalt  }
0x50: {  	_ =	shalt  }
0x51: {  	_ =	shalt  }
0x52: {  	_ =	shalt  }
0x53: {  	_ =	shalt  }
0x54: {  	_ =	shalt  }
0x55: {  	_ =	shalt  }
0x56: {  	_ =	shalt  }
0x57: {  	_ =	shalt  }
0x58: {  	_ =	shalt  }
0x59: {  	_ =	shalt  }
0x5a: {  	_ =	shalt  }
0x5b: {  	_ =	shalt  }
0x5c: {  	_ =	shalt  }
0x5d: {  	_ =	shalt  }
0x5e: {  	_ =	shalt  }
0x5f: {  	_ =	shalt  }
0x60: {  	_ =	shalt  }
0x61: {  	_ =	shalt  }
0x62: {  	_ =	shalt  }
0x63: {  	_ =	shalt  }
0x64: {  	_ =	shalt  }
0x65: {  	_ =	shalt  }
0x66: {  	_ =	shalt  }
0x67: {  	_ =	shalt  }
0x68: {  	_ =	shalt  }
0x69: {  	_ =	shalt  }
0x6a: {  	_ =	shalt  }
0x6b: {  	_ =	shalt  }
0x6c: {  	_ =	shalt  }
0x6d: {  	_ =	shalt  }
0x6e: {  	_ =	shalt  }
0x6f: {  	_ =	shalt  }
0x70: {  	_ =	shalt  }
0x71: {  	_ =	shalt  }
0x72: {  	_ =	shalt  }
0x73: {  	_ =	shalt  }
0x74: {  	_ =	shalt  }
0x75: {  	_ =	shalt  }
0x76: {  	_ =	shalt  }
0x77: {  	_ =	shalt  }
0x78: {  	_ =	shalt  }
0x79: {  	_ =	shalt  }
0x7a: {  	_ =	shalt  }
0x7b: {  	_ =	shalt  }
0x7c: {  	_ =	shalt  }
0x7d: {  	_ =	shalt  }
0x7e: {  	_ =	shalt  }
0x7f: {  	_ =	shalt  }
0x80: {  	_ =	shalt  }
0x81: {  	_ =	shalt  }
0x82: {  	_ =	shalt  }
0x83: {  	_ =	shalt  }
0x84: {  	_ =	shalt  }
0x85: {  	_ =	shalt  }
0x86: {  	_ =	shalt  }
0x87: {  	_ =	shalt  }
.Lfunc_end0:
.L_simem_size_0:
called_computation.1_lowered:
.L_overlay_start_0:
0x88: {  	s2 =	sld [smem:$0x3FD9]  }
0x89: {  	s3 =	sld [smem:$0x3FFE];
	_ =	sdelay $0x1  }
0x8a: {  	s1 =	srdreg.scid  }
0x8b: {  	s0 =	sand.u32 $0x1, s1  }
0x8c: {  	s17 =	sshll.u32 s0, $0xA;
	s2 =	sadd.s32 s3, s2  }
0x8d: {  	s2 =	sadd.s32 s2, s17  }
0x8e: {  	[smem:$0x3FBF] =	sst s2  }
0x8f: {  	_ = 	snop  }
0x90: {  	s2 =	sld [smem:$0x3FD0];
	(tm) =	ssettm $0x1  }
0x91: {  	s18 =	sld [smem:$0x3FFB];
	_ =	sdelay $0x3  }
0x92: {  	_ =	strace s18  }
0x93: {  	s3 =	sld [smem:$0x3FFC];
	_ =	sdelay $0x3  }
0x94: {  	_ =	strace s3  }
0x95: {  	s3 =	sld [smem:$0x3FFD];
	_ =	sdelay $0x3  }
0x96: {  	_ =	strace s3  }
0x97: {  	_ =	strace $0x8FFFFFFF  }
0x98: {  	s19 =	sld [smem:$0x3FDB];
	_ =	sdelay $0x1  }
0x99: {  	s4 =	simm.s32 $_scs_section_size  }
0x9a: {  	s5 =	simm.s32 $_size__tile_overlayer_lowered;
	s6 =	simm.s32 $_tile_overlayer_lowered  }
0x9b: {  	s22 =	simm.s32 $0x1BFF;
	s21 =	sshll.u32 s6, $0x1;
	s3 =	sadd.s32 s4, s19  }
0x9c: {  	s7 =	simm.s32 $0x0;
	s20 =	sshll.u32 s5, $0x1;
	s5 =	sadd.s32 s21, s3  }
0x9d: {  	[timem:s7], [sflag:s22] =	dma.local [hbm:s5], s20  }
0x9e: {  	_ =	swait.ge [sflag:s22], s20  }
0x9f: {  	s4 =	ssub.s32 $0x0, s20;
	[sflag:s22] =	ssyncset.done $0x0  }
0xa0: {  	[sflag:s22] =	ssyncadd.s32 s4;
	_ =	sdelay $0x1  }
0xa1: {  	s23 =	simm.s32 $0x1B8B  }
0xa2: {  	_ =	swait.ge [sflag:s23], $0x1  }
0xa3: {  	[sflag:s23] =	ssyncset.done $0x0  }
0xa4: {  	s25 =	simm.s32 $0x1B8E;
	s24 =	sld [smem:$0x3FFE];
	[sflag:s23] =	ssyncadd.s32 $0xFFFFFFFF  }
0xa5: {  	s26 =	simm.s32 $execute0_lowered;
	[smem:$0x3FD2] =	sst s25  }
0xa6: {  	s5 =	sshll.u32 s26, $0x1;
	_ =	strace $0x80000046;
	[dreg:$0x1] =	wrdreg $0xFFFFFFFF  }
0xa7: {  	s28 =	simm.s32 $_size_execute0_lowered;
	s3 =	sadd.s32 s3, s5;
	[dreg:$0x0] =	wrdreg $0x0  }
0xa8: {  	s5 =	sshll.u32 s28, $0x1;
	[dreg:$0x2] =	wrdreg s3  }
0xa9: {  	[dreg:$0x3] =	wrdreg s5  }
0xaa: {  	[dreg:$0x4] =	wrdreg $0xC0  }
0xab: {  	_ =	task [dreg:s7], $0x5FFFF  }
0xac: {  	[dreg:$0x1] =	wrdreg $0xFFFFFFFF  }
0xad: {  	[dreg:$0x0] =	wrdreg $0x60  }
0xae: {  	[dreg:$0x2] =	wrdreg s2  }
0xaf: {  	[dreg:$0x3] =	wrdreg s24  }
0xb0: {  	[dreg:$0x4] =	wrdreg $0xA  }
0xb1: {  	_ =	task.clear_ibuf [dreg:s7], $0x5FFFF;
	_ =	strace $0x90000046  }
0xb2: {  	s29 =	simm.s32 $0xA;
	_ =	strace $0x80000048  }
0xb3: {  	_ =	swait.ge [sflag:s29], $0x1  }
0xb4: {  	[sflag:s29] =	ssyncadd.s32 $0xFFFFFFFF  }
0xb5: {  	_ =	strace $0x90000048  }
0xb6: {  	_ =	sfence  }
0xb7: {  	s30 =	sld [smem:$0x0];
	_ =	sdelay $0x2  }
0xb8: {  	s31 =	sshll.u32 s1, $0xD;
	s1 =	sshrl.u32 s1, $0x2  }
0xb9: {  	s3 =	sand.u32 $0x4000, s31;
	s1 =	sadd.s32 s1, s30  }
0xba: {  	s0 =	sor.u32 s3, s0;
	s1 =	sshll.u32 s1, $0x11  }
0xbb: {  	s0 =	sor.u32 s1, s0  }
0xbc: {  	s0 =	sadd.s32 $0x8F2B, s0  }
0xbd: {  	[sflag:s0] =	ssyncadd.remote.s32 $0x1  }
0xbe: {  	_ =	sfence.sel $0xFFFF  }
0xbf: {  	[dreg:$0x0] =	wrdreg $0xFFFFFFFF;
	(pc) =	sbr.abs _section_cstart, $3  }
0xc0: {  	[dreg:$0x1] =	wrdreg $0xFFFFFFFF  }
0xc1: {  	_ =	task.clear_ibuf [dreg:s7], $0x2FFFF;
	_ =	strace $0x9FFFFFFF  }
0xc2: {  	(tm) =	ssettm $0x7FFFFFFF  }
0xc3: {  	_ =	shalt  }
tec
execute0_lowered:
.L_overlay_start_1:
0x0: {  	(tag) =	ssettag $0x1  }
0x1: {  	s2 =	rddreg [dreg:$0x0]  }
0x2: {  	s0 =	rddreg [dreg:$0x1];
	s1 =	srdreg.scid  }
0x3: {  	s12 =	stileid.u32;
	s3 =	simm.s32 $0x0;
	s15 =	simm.s32 $0x3520  }
0x4: {  	s16 =	simm.s32 $0x190;
	s17 =	simm.s32 $0x2;
	s18 =	simm.s32 $0x6720  }
0x5: {  	s19 =	simm.s32 $0x258;
	s20 =	simm.s32 $0x3;
	s21 =	simm.s32 $0x9920  }
0x6: {  	s28 =	simm.s32 $0x0;
	s1 =	sand.u32 $0x1, s1;
	s4 =	smul.u32 $0xC350, s12  }
0x7: {  	[smem:$0x7FF] =	sst s3;
	s5 =	sshll.u32 s12, $0x1;
	s12 =	smul.u32 $0x61A80, s12  }
0x8: {  	s7 =	sadd.s32 $0x189800, s0;
	s9 =	sadd.s32 $0x1A2000, s0;
	s6 =	smul.u32 $0x61A8, s1  }
0x9: {  	s5 =	sor.u32 s1, s5;
	s8 =	ssub.s32 $0x2, s1;
	s14 =	smul.u32 $0x30D40, s1  }
0xa: {  	_ =	strace $0x80000047;
	s5 =	smul.u32 $0x61A8, s5;
	s22 =	sshrl.u32 s8, $0x1  }
0xb: {  	s4 =	sadd.s32 s6, s4;
	s0 =	ssub.s32 s8, s22;
	s22 =	simm.s32 $0x4  }
0xc: {  	s6 =	sadd.s32 $0x258, s4;
	s5 =	sadd.s32 $0x60E0, s5;
	s25 =	sadd.s32 $0x190, s4  }
0xd: {  	s29 =	sadd.s32 $0xC8, s4;
	s4 =	sshrl.u32 s4, $0x3;
	s23 =	sshrl.u32 s6, $0x3  }
0xe: {  	s24 =	sshrl.u32 s5, $0x3;
	s5 =	sshll.u32 s5, $0x3;
	s26 =	sshrl.u32 s25, $0x3  }
0xf: {  	s25 =	simm.s32 $0x7;
	s10 =	sshll.u32 s23, $0x6;
	s6 =	sadd.s32 s7, s24  }
0x10: {  	s5 =	sadd.s32 s9, s5;
	s11 =	sshll.u32 s26, $0x6;
	s1 =	sadd.s32 s26, s7  }
0x11: {  	s24 =	simm.s32 $0x6;
	s26 =	simm.s32 $0x8;
	[dreg:$0x7] =	wrdreg s6  }
0x12: {  	[dreg:$0x8] =	wrdreg s5;
	s10 =	sadd.s32 s10, s9;
	s6 =	smax.u32 s0, $0x1  }
0x13: {  	s0 =	sadd.s32 s23, s7;
	[dreg:$0x3] =	wrdreg s10;
	s10 =	sshrl.u32 s29, $0x3  }
0x14: {  	s11 =	sadd.s32 s11, s9;
	s23 =	simm.s32 $0x5;
	s13 =	sshll.u32 s10, $0x6  }
0x15: {  	[dreg:$0x4] =	wrdreg s11;
	s11 =	simm.s32 $0x9;
	s30 =	sadd.s32 s13, s9  }
0x16: {  	s9 =	sadd.s32 s12, s9;
	s12 =	simm.s32 $0xC8;
	s13 =	simm.s32 $0x320  }
0x17: {  	[dreg:$0x5] =	wrdreg s30;
	s31 =	sadd.s32 s14, s9;
	s9 =	sadd.s32 s10, s7  }
0x18: {  	s10 =	sadd.s32 s4, s7;
	s14 =	simm.s32 $0x1;
	[dreg:$0x6] =	wrdreg s31  }
.LBB2_1:
0x19: {  	[tilespmem:s3], [sflag:$0x9] =	stream.linear.gather [hbm4b:s10+s3], $0xC8, $0x38;
	[tilespmem:$0xCB20] =	vst v63  }
0x1a: {  	_ =	swait.ge [sflag:s11], $0xC8  }
0x1b: {  	[sflag:s11] =	ssyncset.done $0x0  }
0x1c: {  	[sflag:s11] =	ssyncadd.s32 $0xFFFFFF38  }
0x1d: {  	[tilespmem:s13], [sflag:$0x1] =	stream.indirect.gather [hbm4b:s2+s12], $0x40, s3, s12, $0xb8;
	[tilespmem:$0xCB20] =	vst v63  }
0x1e: {  	_ = 	snop  }
0x1f: {  	[tilespmem:s12], [sflag:$0x9] =	stream.linear.gather [hbm4b:s9+s3], $0xC8, $0x38;
	[tilespmem:$0xCB20] =	vst v63  }
0x20: {  	_ =	swait.ge [sflag:s11], $0xC8  }
0x21: {  	[sflag:s11] =	ssyncset.done $0x0  }
0x22: {  	[sflag:s11] =	ssyncadd.s32 $0xFFFFFF38  }
0x23: {  	_ =	swait.ge [sflag:s14], $0x3200  }
0x24: {  	s4 =	rddreg [dreg:$0x6];
	[sflag:s14] =	ssyncset.done $0x0  }
0x25: {  	[sflag:s14] =	ssyncadd.s32 $0xFFFFCE00;
	s4 =	sadd.s32 $0x0, s4  }
0x26: {  	[hbm4b:s4+s3] =	stream.linear.scatter [tilespmem:s13], [sflag:$0x5], $0x3200, $0x38;
	[tilespmem:$0xCB20] =	vst v63  }
0x27: {  	_ = 	snop  }
0x28: {  	[tilespmem:s15], [sflag:$0x2] =	stream.indirect.gather [hbm4b:s2+s12], $0x40, s12, s12, $0xb8;
	[tilespmem:$0xCB20] =	vst v63  }
0x29: {  	_ = 	snop  }
0x2a: {  	[tilespmem:s16], [sflag:$0x9] =	stream.linear.gather [hbm4b:s1+s3], $0xC8, $0x38;
	[tilespmem:$0xCB20] =	vst v63  }
0x2b: {  	_ =	swait.ge [sflag:s11], $0xC8  }
0x2c: {  	[sflag:s11] =	ssyncset.done $0x0  }
0x2d: {  	[sflag:s11] =	ssyncadd.s32 $0xFFFFFF38  }
0x2e: {  	_ =	swait.ge [sflag:s17], $0x3200  }
0x2f: {  	s5 =	rddreg [dreg:$0x5];
	[sflag:s17] =	ssyncset.done $0x0  }
0x30: {  	[sflag:s17] =	ssyncadd.s32 $0xFFFFCE00;
	s4 =	sadd.s32 $0x0, s5  }
0x31: {  	[hbm4b:s4+s3] =	stream.linear.scatter [tilespmem:s15], [sflag:$0x6], $0x3200, $0x38;
	[tilespmem:$0xCB20] =	vst v63  }
0x32: {  	_ = 	snop  }
0x33: {  	[tilespmem:s18], [sflag:$0x3] =	stream.indirect.gather [hbm4b:s2+s12], $0x40, s16, s12, $0xb8;
	[tilespmem:$0xCB20] =	vst v63  }
0x34: {  	_ = 	snop  }
0x35: {  	[tilespmem:s19], [sflag:$0x9] =	stream.linear.gather [hbm4b:s0+s3], $0xC8, $0x38;
	[tilespmem:$0xCB20] =	vst v63  }
0x36: {  	_ =	swait.ge [sflag:s11], $0xC8  }
0x37: {  	[sflag:s11] =	ssyncset.done $0x0  }
0x38: {  	[sflag:s11] =	ssyncadd.s32 $0xFFFFFF38  }
0x39: {  	_ =	swait.ge [sflag:s20], $0x3200  }
0x3a: {  	s7 =	rddreg [dreg:$0x4];
	[sflag:s20] =	ssyncset.done $0x0  }
0x3b: {  	[sflag:s20] =	ssyncadd.s32 $0xFFFFCE00;
	s4 =	sadd.s32 $0x0, s7  }
0x3c: {  	[hbm4b:s4+s3] =	stream.linear.scatter [tilespmem:s18], [sflag:$0x7], $0x3200, $0x38;
	[tilespmem:$0xCB20] =	vst v63  }
0x3d: {  	_ = 	snop  }
0x3e: {  	[tilespmem:s21], [sflag:$0x4] =	stream.indirect.gather [hbm4b:s2+s12], $0x40, s19, s12, $0xb8;
	[tilespmem:$0xCB20] =	vst v63  }
0x3f: {  	_ =	swait.ge [sflag:s22], $0x3200  }
0x40: {  	s8 =	rddreg [dreg:$0x3];
	[sflag:s22] =	ssyncset.done $0x0  }
0x41: {  	[sflag:s22] =	ssyncadd.s32 $0xFFFFCE00;
	s4 =	sadd.s32 $0x0, s8  }
0x42: {  	[hbm4b:s4+s3] =	stream.linear.scatter [tilespmem:s21], [sflag:$0x8], $0x3200, $0x38;
	[tilespmem:$0xCB20] =	vst v63  }
0x43: {  	_ =	swait.ge [sflag:s23], $0x3200  }
0x44: {  	[sflag:s23] =	ssyncset.done $0x0  }
0x45: {  	[sflag:s23] =	ssyncadd.s32 $0xFFFFCE00  }
0x46: {  	_ =	swait.ge [sflag:s24], $0x3200  }
0x47: {  	[sflag:s24] =	ssyncset.done $0x0  }
0x48: {  	[sflag:s24] =	ssyncadd.s32 $0xFFFFCE00  }
0x49: {  	_ =	swait.ge [sflag:s25], $0x3200  }
0x4a: {  	[sflag:s25] =	ssyncset.done $0x0  }
0x4b: {  	s29 =	simm.s32 $0x1900;
	[sflag:s25] =	ssyncadd.s32 $0xFFFFCE00  }
0x4c: {  	s30 =	sadd.s32 $0x64, s9;
	s31 =	sadd.s32 $0x64, s10;
	_ =	swait.ge [sflag:s26], $0x3200  }
0x4d: {  	s7 =	smov.u32 s0;
	s8 =	smov.u32 s1;
	[sflag:s26] =	ssyncset.done $0x0  }
.LBB2_2:
0x4e: {  	[sflag:s26] =	ssyncadd.s32 $0xFFFFCE00  }
0x4f: {  	[tilespmem:s3], [sflag:$0x9] =	stream.linear.gather [hbm4b:s31+s3], $0xC8, $0x38;
	[tilespmem:$0xCB20] =	vst v63  }
0x50: {  	_ =	swait.ge [sflag:s11], $0xC8  }
0x51: {  	[sflag:s11] =	ssyncset.done $0x0  }
0x52: {  	[sflag:s11] =	ssyncadd.s32 $0xFFFFFF38  }
0x53: {  	[tilespmem:s13], [sflag:$0x1] =	stream.indirect.gather [hbm4b:s2+s12], $0x40, s3, s12, $0xb8;
	[tilespmem:$0xCB20] =	vst v63  }
0x54: {  	_ = 	snop  }
0x55: {  	[tilespmem:s12], [sflag:$0x9] =	stream.linear.gather [hbm4b:s30+s3], $0xC8, $0x38;
	[tilespmem:$0xCB20] =	vst v63  }
0x56: {  	_ =	swait.ge [sflag:s11], $0xC8  }
0x57: {  	[sflag:s11] =	ssyncset.done $0x0  }
0x58: {  	[sflag:s11] =	ssyncadd.s32 $0xFFFFFF38  }
0x59: {  	_ =	swait.ge [sflag:s14], $0x3200  }
0x5a: {  	s4 =	smov.u32 s29;
	s5 =	rddreg [dreg:$0x6];
	[sflag:s14] =	ssyncset.done $0x0  }
0x5b: {  	[sflag:s14] =	ssyncadd.s32 $0xFFFFCE00;
	s5 =	sadd.s32 s4, s5  }
0x5c: {  	[hbm4b:s5+s3] =	stream.linear.scatter [tilespmem:s13], [sflag:$0x5], $0x3200, $0x38;
	[tilespmem:$0xCB20] =	vst v63  }
0x5d: {  	_ = 	snop  }
0x5e: {  	[tilespmem:s15], [sflag:$0x2] =	stream.indirect.gather [hbm4b:s2+s12], $0x40, s12, s12, $0xb8;
	[tilespmem:$0xCB20] =	vst v63  }
0x5f: {  	s8 =	sadd.s32 $0x64, s8  }
0x60: {  	[tilespmem:s16], [sflag:$0x9] =	stream.linear.gather [hbm4b:s8+s3], $0xC8, $0x38;
	[tilespmem:$0xCB20] =	vst v63  }
0x61: {  	_ =	swait.ge [sflag:s11], $0xC8  }
0x62: {  	[sflag:s11] =	ssyncset.done $0x0  }
0x63: {  	[sflag:s11] =	ssyncadd.s32 $0xFFFFFF38  }
0x64: {  	_ =	swait.ge [sflag:s17], $0x3200  }
0x65: {  	s5 =	rddreg [dreg:$0x5];
	[sflag:s17] =	ssyncset.done $0x0  }
0x66: {  	[sflag:s17] =	ssyncadd.s32 $0xFFFFCE00;
	s5 =	sadd.s32 s4, s5  }
0x67: {  	[hbm4b:s5+s3] =	stream.linear.scatter [tilespmem:s15], [sflag:$0x6], $0x3200, $0x38;
	[tilespmem:$0xCB20] =	vst v63  }
0x68: {  	_ = 	snop  }
0x69: {  	[tilespmem:s18], [sflag:$0x3] =	stream.indirect.gather [hbm4b:s2+s12], $0x40, s16, s12, $0xb8;
	[tilespmem:$0xCB20] =	vst v63  }
0x6a: {  	s7 =	sadd.s32 $0x64, s7  }
0x6b: {  	[tilespmem:s19], [sflag:$0x9] =	stream.linear.gather [hbm4b:s7+s3], $0xC8, $0x38;
	[tilespmem:$0xCB20] =	vst v63  }
0x6c: {  	_ =	swait.ge [sflag:s11], $0xC8  }
0x6d: {  	[sflag:s11] =	ssyncset.done $0x0  }
0x6e: {  	[sflag:s11] =	ssyncadd.s32 $0xFFFFFF38  }
0x6f: {  	_ =	swait.ge [sflag:s20], $0x3200  }
0x70: {  	s5 =	rddreg [dreg:$0x4];
	[sflag:s20] =	ssyncset.done $0x0  }
0x71: {  	[sflag:s20] =	ssyncadd.s32 $0xFFFFCE00;
	s5 =	sadd.s32 s4, s5  }
0x72: {  	[hbm4b:s5+s3] =	stream.linear.scatter [tilespmem:s18], [sflag:$0x7], $0x3200, $0x38;
	[tilespmem:$0xCB20] =	vst v63  }
0x73: {  	_ = 	snop  }
0x74: {  	[tilespmem:s21], [sflag:$0x4] =	stream.indirect.gather [hbm4b:s2+s12], $0x40, s19, s12, $0xb8;
	[tilespmem:$0xCB20] =	vst v63  }
0x75: {  	_ =	swait.ge [sflag:s22], $0x3200  }
0x76: {  	s5 =	rddreg [dreg:$0x3];
	[sflag:s22] =	ssyncset.done $0x0  }
0x77: {  	[sflag:s22] =	ssyncadd.s32 $0xFFFFCE00;
	s4 =	sadd.s32 s4, s5  }
0x78: {  	[hbm4b:s4+s3] =	stream.linear.scatter [tilespmem:s21], [sflag:$0x8], $0x3200, $0x38;
	[tilespmem:$0xCB20] =	vst v63  }
0x79: {  	_ =	swait.ge [sflag:s23], $0x3200  }
0x7a: {  	[sflag:s23] =	ssyncset.done $0x0  }
0x7b: {  	[sflag:s23] =	ssyncadd.s32 $0xFFFFCE00  }
0x7c: {  	_ =	swait.ge [sflag:s24], $0x3200  }
0x7d: {  	[sflag:s24] =	ssyncset.done $0x0  }
0x7e: {  	p0 =	sne.s32 s29, $0x2EE00;
	[sflag:s24] =	ssyncadd.s32 $0xFFFFCE00  }
.Ltmp0:
0x7f: {  	_ =	swait.ge [sflag:s25], $0x3200;
	(pc) =	sbr.rel @p0 .LBB2_2-.Ltmp0, $4  }
0x80: {  	[sflag:s25] =	ssyncset.done $0x0  }
0x81: {  	[sflag:s25] =	ssyncadd.s32 $0xFFFFCE00  }
0x82: {  	s29 =	sadd.s32 $0x1900, s29;
	_ =	swait.ge [sflag:s26], $0x3200  }
0x83: {  	s31 =	sadd.s32 $0x64, s31;
	s30 =	sadd.s32 $0x64, s30;
	[sflag:s26] =	ssyncset.done $0x0  }
0x84: {  	[sflag:s26] =	ssyncadd.s32 $0xFFFFCE00;
	s4 =	rddreg [dreg:$0x7]  }
0x85: {  	[tilespmem:s3], [sflag:$0x9] =	stream.linear.gather [hbm4b:s4+s3], $0xC8, $0x38;
	[tilespmem:$0xCB20] =	vst v63  }
0x86: {  	_ =	swait.ge [sflag:s11], $0xC8  }
0x87: {  	[sflag:s11] =	ssyncset.done $0x0  }
0x88: {  	[sflag:s11] =	ssyncadd.s32 $0xFFFFFF38  }
0x89: {  	[tilespmem:s13], [sflag:$0x1] =	stream.indirect.gather [hbm4b:s2+s12], $0x40, s3, s12, $0xb8;
	[tilespmem:$0xCB20] =	vst v63  }
0x8a: {  	s28 =	sadd.s32 $0x1, s28;
	_ =	swait.ge [sflag:s14], $0x3200  }
0x8b: {  	p0 =	sne.s32 s28, s6;
	[sflag:s14] =	ssyncset.done $0x0  }
.Ltmp1:
0x8c: {  	s31 =	rddreg [dreg:$0x8];
	[sflag:s14] =	ssyncadd.s32 $0xFFFFCE00;
	(pc) =	sbr.rel @p0 .LBB2_1-.Ltmp1, $4  }
0x8d: {  	[hbm4b:s31+s3] =	stream.linear.scatter [tilespmem:s13], [sflag:$0x9], $0x3200, $0x38;
	[tilespmem:$0xCB20] =	vst v63  }
0x8e: {  	_ =	swait.ge [sflag:s11], $0x3200  }
0x8f: {  	[sflag:s11] =	ssyncset.done $0x0  }
0x90: {  	[sflag:s11] =	ssyncadd.s32 $0xFFFFCE00  }
0x91: {  	_ =	sfence.sel $0x180000  }
0x92: {  	[bflag:$0x0] =	sbarrier.arrive $0xFFFF  }
0x93: {  	_ =	strace $0x90000047  }
0x94: {  	s0 =	stileid.u32;
	[bflag:$0x2] =	sbarrier.arrive $0xFFFF  }
0x95: {  	p0 =	sne.s32 s0, $0x0;
	s0 =	rddreg [dreg:$0x2]  }
0x96: {  	s0 =	sadd.s32 @!p0 $0x100000, s0  }
0x97: {  	[sflag:s0] =	ssyncadd.tile.s32 @!p0 $0x1;
	_ =	shalt  }
.Lfunc_end2:
_tile_overlayer_lowered:
.L_overlay_start_2:
0x98: {  	(tag) =	ssettag $0x2  }
0x99: {  	s0 =	rddreg [dreg:$0x0];
	s2 =	stileid.u32  }
0x9a: {  	s1 =	rddreg [dreg:$0x1];
	p0 =	sne.s32 s2, $0x0  }
0x9b: {  	s3 =	rddreg [dreg:$0x2];
	[bflag:$0x3] =	sbarrier.arrive $0xFFFF;
	s2 =	simm.s32 @!p0 $0x1C09  }
0x9c: {  	[timem:s3], [sflag:s2] =	dma.local @!p0 [hbm:s0], s1  }
0x9d: {  	s0 =	simm.s32 @!p0 $0x9  }
0x9e: {  	_ =	swait.ge @!p0 [sflag:s0], s1  }
0x9f: {  	s1 =	ssub.s32 @!p0 $0x0, s1;
	[sflag:s0] =	ssyncset.done @!p0 $0x0  }
0xa0: {  	[sflag:s0] =	ssyncadd.s32 @!p0 s1  }
0xa1: {  	[bflag:$0x3] =	sbarrier.arrive $0xFFFF  }
0xa2: {  	_ =	shalt  }

// kernel: sparse-core-data-format-call.cloned.1.call-start
scs
called_computation_lowered:
.L_overlay_start_0:
0x0: {  	s2 =	sld [smem:$0x3FD9]  }
0x1: {  	s3 =	sld [smem:$0x3FFE];
	_ =	sdelay $0x1  }
0x2: {  	s1 =	srdreg.scid  }
0x3: {  	s0 =	sand.u32 $0x1, s1  }
0x4: {  	s18 =	sshll.u32 s0, $0xA;
	s2 =	sadd.s32 s3, s2  }
0x5: {  	s2 =	sadd.s32 s2, s18  }
0x6: {  	[smem:$0x3FBF] =	sst s2  }
0x7: {  	_ = 	snop  }
0x8: {  	(tm) =	ssettm $0x1  }
0x9: {  	s19 =	sld [smem:$0x3FFB];
	_ =	sdelay $0x3  }
0xa: {  	_ =	strace s19  }
0xb: {  	s2 =	sld [smem:$0x3FFC];
	_ =	sdelay $0x3  }
0xc: {  	_ =	strace s2  }
0xd: {  	s2 =	sld [smem:$0x3FFD];
	_ =	sdelay $0x3  }
0xe: {  	_ =	strace s2  }
0xf: {  	_ =	strace $0x8FFFFFFF  }
0x10: {  	s20 =	sld [smem:$0x3FDB];
	_ =	sdelay $0x1  }
0x11: {  	s21 =	simm.s32 $_scs_section_size  }
0x12: {  	s4 =	simm.s32 $_size__tile_overlayer_lowered;
	s5 =	simm.s32 $_tile_overlayer_lowered  }
0x13: {  	s6 =	simm.s32 $0x1BFF;
	s22 =	sshll.u32 s5, $0x1;
	s3 =	sadd.s32 s21, s20  }
0x14: {  	s23 =	simm.s32 $0x0;
	s4 =	sshll.u32 s4, $0x1;
	s5 =	sadd.s32 s22, s3  }
0x15: {  	[timem:s23], [sflag:s6] =	dma.local [hbm:s5], s4  }
0x16: {  	_ =	swait.ge [sflag:s6], s4  }
0x17: {  	s4 =	ssub.s32 $0x0, s4;
	[sflag:s6] =	ssyncset.done $0x0  }
0x18: {  	[sflag:s6] =	ssyncadd.s32 s4;
	_ =	sdelay $0x1  }
0x19: {  	s24 =	simm.s32 $0x1B8B  }
0x1a: {  	_ =	swait.ge [sflag:s24], $0x1  }
0x1b: {  	[sflag:s24] =	ssyncset.done $0x0  }
0x1c: {  	[sflag:s24] =	ssyncadd.s32 $0xFFFFFFFF  }
0x1d: {  	s4 =	sld [smem:$0x0]  }
0x1e: {  	s5 =	sand.u32 $0xFFFFFFFE, s1  }
0x1f: {  	p0 =	sne.s32 s1, s5  }
0x20: {  	s5 =	sshll.u32 @p0 s5, $0xE  }
0x21: {  	s5 =	sadd.s32 @p0 $0x11B8D, s5;
	s6 =	sshll.u32 @p0 s4, $0x11  }
0x22: {  	s5 =	sor.u32 @p0 s6, s5  }
0x23: {  	[sflag:s5] =	ssyncadd.remote.s32 @p0 $0x1;
	_ =	sdelay $0x1  }
0x24: {  	s5 =	simm.s32 @p0 $0x1B8D  }
0x25: {  	_ =	swait.eq @p0 [sflag:s5], $0x1  }
0x26: {  	[sflag:s5] =	ssyncadd.s32 @p0 $0xFFFFFFFF  }
0x27: {  	s6 =	sshll.u32 @!p0 s1, $0xE  }
0x28: {  	s6 =	sor.u32 @!p0 $0x4000, s6;
	s5 =	simm.s32 @!p0 $0x1B8D  }
0x29: {  	s4 =	sshll.u32 @!p0 s4, $0x11;
	s6 =	sadd.s32 @!p0 $0x11B8D, s6;
	_ =	swait.eq @!p0 [sflag:s5], $0x1  }
0x2a: {  	s4 =	sor.u32 @!p0 s4, s6;
	[sflag:s5] =	ssyncadd.s32 @!p0 $0xFFFFFFFF  }
0x2b: {  	s26 =	simm.s32 $0x1B8E;
	s25 =	sld [smem:$0x3FFE];
	[sflag:s4] =	ssyncadd.remote.s32 @!p0 $0x1  }
0x2c: {  	s27 =	simm.s32 $execute0_lowered;
	[smem:$0x3FD2] =	sst s26  }
0x2d: {  	s5 =	sshll.u32 s27, $0x1;
	_ =	strace $0x80000049;
	[dreg:$0x1] =	wrdreg $0xFFFFFFFF  }
0x2e: {  	s28 =	simm.s32 $_size_execute0_lowered;
	s3 =	sadd.s32 s3, s5;
	[dreg:$0x0] =	wrdreg $0x0  }
0x2f: {  	s5 =	sshll.u32 s28, $0x1;
	[dreg:$0x2] =	wrdreg s3  }
0x30: {  	[dreg:$0x3] =	wrdreg s5  }
0x31: {  	[dreg:$0x4] =	wrdreg $0xC0  }
0x32: {  	_ =	task [dreg:s23], $0x5FFFF  }
0x33: {  	[dreg:$0x1] =	wrdreg $0xFFFFFFFF  }
0x34: {  	[dreg:$0x0] =	wrdreg $0x60  }
0x35: {  	[dreg:$0x2] =	wrdreg s25  }
0x36: {  	[dreg:$0x3] =	wrdreg $0x9  }
0x37: {  	_ =	task.clear_ibuf [dreg:s23], $0x4FFFF;
	_ =	strace $0x90000049  }
0x38: {  	s29 =	simm.s32 $0x9;
	_ =	strace $0x8000004B  }
0x39: {  	_ =	swait.ge [sflag:s29], $0x1  }
0x3a: {  	[sflag:s29] =	ssyncadd.s32 $0xFFFFFFFF  }
0x3b: {  	_ =	strace $0x9000004B  }
0x3c: {  	_ =	sfence  }
0x3d: {  	s30 =	sld [smem:$0x0];
	_ =	sdelay $0x2  }
0x3e: {  	s31 =	sshll.u32 s1, $0xD;
	s1 =	sshrl.u32 s1, $0x2  }
0x3f: {  	s4 =	sand.u32 $0x4000, s31;
	s1 =	sadd.s32 s1, s30  }
0x40: {  	s0 =	sor.u32 s4, s0;
	s1 =	sshll.u32 s1, $0x11  }
0x41: {  	s0 =	sor.u32 s1, s0  }
0x42: {  	s0 =	sadd.s32 $0x8F2B, s0  }
0x43: {  	[sflag:s0] =	ssyncadd.remote.s32 $0x1  }
0x44: {  	_ =	sfence.sel $0xFFFF  }
0x45: {  	[dreg:$0x0] =	wrdreg $0xFFFFFFFF;
	(pc) =	sbr.abs _section_cstart, $3  }
0x46: {  	[dreg:$0x1] =	wrdreg $0xFFFFFFFF  }
0x47: {  	_ =	task.clear_ibuf [dreg:s23], $0x2FFFF;
	_ =	strace $0x9FFFFFFF  }
0x48: {  	(tm) =	ssettm $0x7FFFFFFF  }
0x49: {  	_ =	shalt  }
tec
execute0_lowered:
.L_overlay_start_1:
0x0: {  	(tag) =	ssettag $0x1  }
0x1: {  	s0 =	srdreg.scid  }
0x2: {  	s0 =	sshll.u32 s0, $0x4  }
0x3: {  	s1 =	stileid.u32;
	s28 =	rddreg [dreg:$0x0];
	s0 =	sand.u32 $0x10, s0  }
0x4: {  	_ =	strace $0x8000004A;
	s2 =	simm.s32 $0x1;
	s0 =	sor.u32 s1, s0  }
0x5: {  	s30 =	simm.s32 $0x2;
	s17 =	simm.s32 $0x0;
	s12 =	sshll.u32 s0, $0x7  }
0x6: {  	p0 =	por $0x0, $0x0;
	s16 =	simm.s32 $0x0;
	s29 =	ssub.s32 $0xC300, s12  }
0x7: {  	s18 =	simm.s32 $0x0;
	s9 =	simm.s32 $0x0;
	s1 =	sshrl.u32 s29, $0xC  }
0x8: {  	s10 =	simm.s32 $0x0;
	s3 =	sadd.s32 $0x7BC800, s28;
	s1 =	smul.u32 $0x3, s1  }
.Ltmp0:
0x9: {  	[dreg:$0x3] =	wrdreg s3;
	s0 =	sadd.s32 $0x9B1800, s28;
	(pc) =	sbr.rel .LBB1_1-.Ltmp0, $4  }
0xa: {  	s11 =	simm.s32 $0x0;
	s13 =	simm.s32 $0x0;
	[dreg:$0x4] =	wrdreg s0  }
0xb: {  	s14 =	simm.s32 $0x0;
	[dreg:$0x2] =	wrdreg s12;
	s31 =	sadd.s32 $0x3, s1  }
0xc: {  	[sflag:s2] =	ssyncpa.u1 $0x0;
	s6 =	sadd.s32 $0x4, s1;
	[dreg:$0x5] =	wrdreg s31  }
0xd: {  	s15 =	simm.s32 $0x0;
	[sflag:s30] =	ssyncpa.u1 $0x0;
	[dreg:$0x6] =	wrdreg s6  }
.LBB1_14:
0xe: {  	p1 =	sgt.s32 s11, $0x70;
	s0 =	smov.u32 s11  }
0xf: {  	s1 =	smov.u32 s9;
	s2 =	sshll.u32 s10, $0x7;
	s4 =	sshll.u32 s11, $0x3  }
0x10: {  	s23 =	sshll.u32 s11, $0x1;
	s25 =	smul.u32 $0x8800, s22;
	s26 =	sshrl.u32 s11, $0x3  }
0x11: {  	s27 =	sshll.u32 s9, $0x7;
	s5 =	rddreg [dreg:$0x4];
	s28 =	sand.u32 $0x7, s11  }
0x12: {  	s31 =	simm.s32 $0x80;
	s6 =	rddreg [dreg:$0x6];
	s0 =	simm.s32 @!p1 $0x70  }
0x13: {  	p1 =	sgt.s32 s9, $0xC2D0;
	s4 =	sand.u32 $0x400, s4;
	s24 =	sand.u32 $0x80, s23  }
0x14: {  	s29 =	sshll.u32 s28, $0x12;
	s0 =	sadd.s32 s19, s0;
	s1 =	simm.s32 @!p1 $0xC2D0  }
0x15: {  	s19 =	sand.u32 $0x400, s2;
	s2 =	sand.u32 $0x300, s2;
	s3 =	sadd.s32 $0xFFFFFF90, s0  }
0x16: {  	s1 =	sadd.s32 s21, s1;
	s0 =	ssub.s32 $0x80, s0;
	p1 =	sgt.s32 s3, $0xF  }
0x17: {  	s3 =	sadd.s32 s4, s19;
	s21 =	sadd.s32 $0xFFFF3D30, s1;
	s0 =	simm.s32 @p1 $0x0  }
0x18: {  	s1 =	ssub.s32 $0xC350, s1;
	p1 =	sgt.s32 s21, $0x7F;
	s0 =	smul.u32 s20, s0  }
0x19: {  	s2 =	sor.u32 s2, s3;
	s3 =	sand.u32 $0x7, s26;
	s1 =	simm.s32 @p1 $0x0  }
0x1a: {  	s2 =	sor.u32 s24, s2;
	s3 =	sadd.s32 s5, s3;
	s0 =	smul.u32 s1, s0  }
0x1b: {  	s30 =	sor.u32 $0x10, s29;
	s2 =	sshrl.u32 s2, $0x4;
	s3 =	sadd.s32 s27, s3  }
0x1c: {  	s2 =	sand.u32 $0x78, s2;
	s1 =	sshrl.u32 s25, $0x1;
	s0 =	sshrl.u32 s0, $0x1  }
0x1d: {  	s1 =	sor.u32 $0x8000, s1;
	s2 =	sadd.s32 s2, s3;
	s0 =	sand.u32 $0x3FFFFFFF, s0  }
0x1e: {  	[hbm4b:s2+s30] =	stream.strided.scatter [tilespmem:s1], [sflag:$0x2], s0, s31, s30, $0x8;
	[tilespmem:$0x10800] =	vst v63  }
.LBB1_15:
0x1f: {  	p1 =	slt.u32 s15, $0x2  }
0x20: {  	s1 =	smov.u32 s17;
	s2 =	smov.u32 s18;
	p2 =	sgt.s32 @!p1 s17, $0xC2D0  }
0x21: {  	s0 =	sshra.s32 @!p1 s17, $0x1F;
	p3 =	sgt.s32 @!p1 s18, $0x70;
	s3 =	sshra.s32 @!p1 s18, $0x1F  }
0x22: {  	p2 =	por !p2, p1;
	s0 =	sand.u32 @!p1 s0, s17;
	p3 =	por !p3, p1  }
0x23: {  	s3 =	sand.u32 @!p1 s3, s18;
	s1 =	simm.s32 @p2 $0xC2D0;
	s2 =	simm.s32 @p3 $0x70  }
0x24: {  	s0 =	ssub.s32 @!p1 s1, s0;
	s1 =	ssub.s32 @!p1 $0x0, s16;
	s2 =	ssub.s32 @!p1 s2, s3  }
0x25: {  	s3 =	sadd.s32 @!p1 $0xFFFF3D30, s0;
	s1 =	smin.u32 @!p1 s16, s1;
	s4 =	sadd.s32 @!p1 $0xFFFFFF90, s2  }
0x26: {  	s2 =	ssub.s32 @!p1 $0x80, s2;
	p2 =	sgt.s32 @!p1 s1, $0xF;
	p3 =	sgt.s32 @!p1 s4, $0xF  }
0x27: {  	s1 =	ssub.s32 @!p1 $0x10, s1;
	p2 =	por !p2, p1;
	p3 =	por !p3, p1  }
0x28: {  	s1 =	simm.s32 @!p2 $0x0;
	p2 =	sgt.s32 @!p1 s3, $0x7F;
	s2 =	simm.s32 @!p3 $0x0  }
0x29: {  	s0 =	ssub.s32 @!p1 $0xC350, s0;
	p2 =	por !p2, p1;
	s1 =	smul.u32 @!p1 s1, s2  }
0x2a: {  	s3 =	smov.u32 s13;
	s2 =	sadd.s32 $0x1000, s12;
	s0 =	simm.s32 @!p2 $0x0  }
0x2b: {  	p2 =	sgt.s32 s2, $0xC34F;
	s0 =	smul.u32 @!p1 s0, s1;
	s1 =	sadd.s32 $0x10, s13  }
0x2c: {  	s5 =	rddreg [dreg:$0x2];
	p0 =	por !p0, !p0;
	s3 =	smov.u32 @p2 s1  }
0x2d: {  	s4 =	smov.u32 s14;
	s1 =	sadd.s32 $0x10, s14;
	p3 =	sgt.s32 s3, $0xF  }
0x2e: {  	s17 =	smov.u32 s9;
	s18 =	smov.u32 s11;
	s4 =	smov.u32 @p3 s1  }
0x2f: {  	s9 =	smov.u32 s12;
	s2 =	smov.u32 @p2 s5;
	p2 =	sgt.s32 s4, $0x28  }
0x30: {  	s11 =	smov.u32 s14;
	s4 =	simm.s32 @p2 $0x0;
	p2 =	sne.s32 s15, s6  }
.Ltmp1:
0x31: {  	s16 =	smov.u32 s10;
	s0 =	sshrl.u32 @!p1 s0, $0x1;
	(pc) =	sbr.rel @!p2 .LBB1_16-.Ltmp1, $4  }
0x32: {  	s10 =	smov.u32 s13;
	s0 =	sand.u32 @!p1 $0x3FFFFFFF, s0;
	s1 =	simm.s32 @!p1 $0x2  }
0x33: {  	s12 =	smov.u32 s2;
	s3 =	simm.s32 @p3 $0x0;
	_ =	swait.ge @!p1 [sflag:s1], s0  }
0x34: {  	s0 =	ssub.s32 @!p1 $0x0, s0;
	s13 =	smov.u32 s3;
	[sflag:s1] =	ssyncset.done @!p1 $0x0  }
0x35: {  	s15 =	sadd.s32 $0x1, s15;
	[sflag:s1] =	ssyncadd.s32 @!p1 s0;
	s14 =	smov.u32 s4  }
.LBB1_1:
0x36: {  	s0 =	rddreg [dreg:$0x5]  }
0x37: {  	s4 =	smov.u32 s12;
	p1 =	sge.u32 s15, s0  }
0x38: {  	s0 =	sshrl.u32 @!p1 s13, $0x3;
	s1 =	sshll.u32 @!p1 s12, $0x3;
	s2 =	sshll.u32 @!p1 s13, $0x7  }
0x39: {  	p2 =	sgt.s32 @!p1 s14, $0x19;
	s3 =	sshra.s32 @!p1 s14, $0x1F;
	s0 =	smul.u32 @!p1 $0x61C00, s0  }
0x3a: {  	s5 =	sshra.s32 @!p1 s12, $0x1F;
	s1 =	sand.u32 @!p1 $0xFFFFFC00, s1;
	p2 =	por !p2, p1  }
0x3b: {  	s0 =	sadd.s32 @!p1 s0, s1;
	s1 =	sand.u32 @!p1 $0x300, s2;
	s2 =	sshll.u32 @!p1 s12, $0x1  }
0x3c: {  	s3 =	sand.u32 @!p1 s3, s14;
	s0 =	sor.u32 @!p1 s1, s0;
	s1 =	sand.u32 @!p1 $0xFE, s2  }
0x3d: {  	s2 =	sand.u32 @!p1 $0x1, s13;
	s0 =	sor.u32 @!p1 s1, s0;
	s1 =	smov.u32 s14  }
0x3e: {  	s1 =	simm.s32 @p2 $0x19;
	p2 =	sgt.s32 @!p1 s12, $0xC300;
	s2 =	sor.u32 @!p1 s2, s0  }
0x3f: {  	s0 =	smulhi.u32 @!p1 $0xA79C7B17, s0;
	p2 =	por !p2, p1;
	s1 =	ssub.s32 @!p1 s1, s3  }
0x40: {  	s3 =	sand.u32 @!p1 s5, s12;
	s4 =	simm.s32 @p2 $0xC300;
	s5 =	sadd.s32 @!p1 $0xFFFFFFE7, s1  }
0x41: {  	s1 =	ssub.s32 @!p1 $0x29, s1;
	s0 =	sshrl.u32 @!p1 s0, $0xF;
	s3 =	ssub.s32 @!p1 s4, s3  }
0x42: {  	p2 =	sgt.s32 @!p1 s5, $0xF;
	s4 =	ssub.s32 @!p1 $0x0, s13;
	s0 =	sand.u32 @!p1 $0xF, s0  }
0x43: {  	s5 =	sadd.s32 @!p1 $0xFFFF3D00, s3;
	s4 =	smin.u32 @!p1 s13, s4;
	p2 =	por !p2, p1  }
0x44: {  	p3 =	sgt.s32 @!p1 s5, $0x7F;
	s5 =	smulhi.u32 @!p1 $0xA79C7B17, s2;
	p4 =	sgt.s32 @!p1 s4, $0xF  }
0x45: {  	s1 =	simm.s32 @!p2 $0x0;
	s4 =	ssub.s32 @!p1 $0x10, s4;
	p2 =	por !p4, p1  }
0x46: {  	s3 =	ssub.s32 @!p1 $0xC380, s3;
	s0 =	smul.u32 @!p1 $0xC38, s0;
	s4 =	simm.s32 @!p2 $0x0  }
0x47: {  	s5 =	sshrl.u32 @!p1 s5, $0xF;
	p2 =	por !p3, p1;
	s1 =	smul.u32 @!p1 s4, s1  }
0x48: {  	s4 =	smul.u32 @!p1 $0xC380, s5;
	s3 =	simm.s32 @!p2 $0x0  }
0x49: {  	s1 =	smul.u32 @!p1 s3, s1  }
0x4a: {  	s3 =	smul.u32 @!p1 $0xC380, s14  }
0x4b: {  	s5 =	sxor.u32 @!p1 $0xFFFFFFFF, s15;
	s2 =	ssub.s32 @!p1 s2, s4;
	s4 =	rddreg [dreg:$0x3]  }
0x4c: {  	s1 =	sshrl.u32 @!p1 s1, $0x1;
	s3 =	sadd.s32 @!p1 s4, s3;
	s4 =	sshrl.u32 @!p1 s2, $0x4  }
0x4d: {  	s2 =	sshll.u32 @!p1 s2, $0x11;
	s1 =	sand.u32 @!p1 $0x3FFFFFFF, s1;
	s0 =	sadd.s32 @!p1 s0, s3  }
0x4e: {  	s3 =	sshll.u32 @!p1 s5, $0xE;
	s2 =	sand.u32 @!p1 $0x1C0000, s2;
	s0 =	sadd.s32 @!p1 s4, s0  }
0x4f: {  	s3 =	sand.u32 @!p1 $0x4000, s3;
	s2 =	sor.u32 @!p1 $0x200, s2;
	s4 =	simm.s32 @!p1 $0x30E00  }
0x50: {  	[tilespmem:s3], [sflag:$0x1] =	stream.strided.gather @!p1 [hbm4b:s0+s2], s1, s4, s2, $0x38;
	[tilespmem:$0x10800] =	vst v63  }
0x51: {  	p1 =	seq.s32 s15, $0x0  }
0x52: {  	p2 =	sge.u32 @!p1 s15, s6  }
0x53: {  	p1 =	por p1, p2  }
.Ltmp2:
0x54: {  	_ = 	snop;
	(pc) =	sbr.rel @p1 .LBB1_15-.Ltmp2, $1  }
0x55: {  	_ =	sdelay $0x3  }
0x56: {  	s0 =	ssub.s32 $0x0, s11;
	s1 =	sshra.s32 s11, $0x1F;
	p1 =	sgt.s32 s11, $0x19  }
0x57: {  	s2 =	smov.u32 s11;
	s27 =	ssub.s32 $0x0, s10;
	s28 =	ssub.s32 $0x0, s9  }
0x58: {  	s3 =	sshra.s32 s9, $0x1F;
	p2 =	sgt.s32 s9, $0xC300;
	s4 =	smov.u32 s9  }
0x59: {  	s19 =	sand.u32 s0, s1;
	s2 =	simm.s32 @!p1 $0x19;
	s1 =	smin.u32 s10, s27  }
0x5a: {  	s21 =	sand.u32 s28, s3;
	s4 =	simm.s32 @!p2 $0xC300;
	s0 =	sadd.s32 s19, s2  }
0x5b: {  	p2 =	sgt.s32 s1, $0xF;
	s20 =	ssub.s32 $0x10, s1;
	s26 =	sadd.s32 $0xFFFFFFE7, s0  }
0x5c: {  	s29 =	sadd.s32 s21, s4;
	s0 =	ssub.s32 $0x29, s0;
	p1 =	sgt.s32 s26, $0xF  }
0x5d: {  	s20 =	simm.s32 @p2 $0x0;
	s30 =	sadd.s32 $0xFFFF3D00, s29;
	s0 =	simm.s32 @p1 $0x0  }
0x5e: {  	s1 =	ssub.s32 $0xC380, s29;
	p1 =	sgt.s32 s30, $0x7F;
	s0 =	smul.u32 s20, s0  }
0x5f: {  	s2 =	sadd.s32 $0x10, s11;
	s1 =	simm.s32 @p1 $0x0  }
0x60: {  	p1 =	slt.s32 s2, $0x29;
	s0 =	smul.u32 s1, s0;
	s1 =	sadd.s32 $0x10, s10  }
0x61: {  	s2 =	simm.s32 @!p1 $0x29;
	p1 =	slt.s32 s1, $0x10  }
0x62: {  	s23 =	ssub.s32 s2, s11;
	s1 =	simm.s32 @!p1 $0x10  }
0x63: {  	p1 =	slt.s32 s23, $0x1;
	s24 =	ssub.s32 s1, s10  }
0x64: {  	p2 =	slt.s32 @!p1 s24, $0x1  }
0x65: {  	p2 =	por p1, p2  }
.Ltmp3:
0x66: {  	s0 =	sshrl.u32 s0, $0x1;
	(pc) =	sbr.rel @p2 .LBB1_14-.Ltmp3, $4  }
0x67: {  	s31 =	simm.s32 $0x1;
	s0 =	sand.u32 $0x3FFFFFFF, s0  }
0x68: {  	_ =	swait.ge [sflag:s31], s0  }
0x69: {  	s0 =	ssub.s32 $0x0, s0;
	[sflag:s31] =	ssyncset.done $0x0  }
0x6a: {  	s22 =	sand.u32 $0x1, s15;
	[sflag:s31] =	ssyncadd.s32 s0  }
0x6b: {  	s0 =	sadd.s32 $0x80, s9  }
0x6c: {  	p2 =	slt.s32 s0, $0xC350  }
0x6d: {  	s0 =	simm.s32 @!p2 $0xC350  }
0x6e: {  	s1 =	simm.s32 $0x1;
	s0 =	ssub.s32 s0, s9  }
0x6f: {  	s1 =	simm.s32 @!p0 $0x0;
	s0 =	sadd.s32 $0xF, s0  }
0x70: {  	s1 =	smul.u32 $0x11000, s1;
	s2 =	sshrl.u32 s0, $0x8  }
0x71: {  	s2 =	smul.u32 $0x22000, s2  }
.Ltmp4:
0x72: {  	_ = 	snop;
	(pc) =	sbr.rel .LBB1_4-.Ltmp4, $4  }
0x73: {  	s27 =	sshll.u32 @!p1 s22, $0xE;
	s30 =	simm.s32 $0x0;
	s31 =	simm.s32 $0x0  }
0x74: {  	s25 =	sand.u32 $0xFFFFFFF0, s0;
	s26 =	sand.u32 @!p1 $0xFFFFFF00, s0;
	s2 =	sadd.s32 s1, s2  }
0x75: {  	p1 =	slt.s32 s0, $0x100;
	s1 =	sshrl.u32 s1, $0x2;
	s2 =	sshra.s32 s2, $0x2  }
0x76: {  	p2 =	sge.s32 s26, s25;
	s28 =	sadd.s32 $0xFF80, s1;
	s29 =	sadd.s32 $0x8000, s2  }
.LBB1_13:
0x77: {  	s31 =	sadd.s32 $0x1, s31  }
0x78: {  	p3 =	sne.s32 s31, s23  }
.Ltmp5:
0x79: {  	_ = 	snop;
	(pc) =	sbr.rel @!p3 .LBB1_14-.Ltmp5, $2  }
0x7a: {  	_ =	sdelay $0x2  }
0x7b: {  	s30 =	sadd.s32 $0x1, s30  }
.LBB1_4:
.Ltmp6:
0x7c: {  	(pc) =	sbr.rel .LBB1_5-.Ltmp6, $4  }
0x7d: {  	_ = 	snop  }
0x7e: {  	s0 =	sshll.u32 s31, $0xC  }
0x7f: {  	s2 =	sand.u32 $0xF, s30;
	s5 =	simm.s32 $0x0;
	s0 =	sshra.s32 s0, $0x2  }
0x80: {  	s8 =	sadd.s32 s2, s29;
	s1 =	sadd.s32 s0, s27;
	s0 =	sadd.s32 s2, s28  }
.LBB1_12:
0x81: {  	s5 =	sadd.s32 $0x2, s5  }
0x82: {  	p3 =	slt.s32 s5, s24  }
.Ltmp7:
0x83: {  	_ = 	snop;
	(pc) =	sbr.rel @!p3 .LBB1_13-.Ltmp7, $1  }
0x84: {  	_ =	sdelay $0x3  }
.LBB1_5:
.Ltmp8:
0x85: {  	s2 =	sshrl.u32 s5, $0x1;
	(pc) =	sbr.rel @p1 .LBB1_9-.Ltmp8, $3  }
0x86: {  	s2 =	sand.u32 $0x7, s2  }
0x87: {  	s2 =	smul.u32 $0x44, s2;
	_ =	sdelay $0x1  }
0x88: {  	s4 =	sshll.u32 s5, $0x6;
	s3 =	sshrl.u32 s2, $0x2  }
0x89: {  	s2 =	sand.u32 $0x380, s4  }
0x8a: {  	s2 =	sadd.s32 s2, s1  }
0x8b: {  	v5 =	vld [tilespmem:s2+$0x70]  }
0x8c: {  	v6 =	vld [tilespmem:s2+$0x0]  }
0x8d: {  	v7 =	vld [tilespmem:s2+$0x10]  }
0x8e: {  	v1 =	vld [tilespmem:s2+$0x20]  }
0x8f: {  	s6 =	sadd.s32 s3, s0;
	v0 =	vld [tilespmem:s2+$0x30]  }
0x90: {  	v2 =	vld [tilespmem:s2+$0x40];
	[tilespmem:s6+$0x0 ss:$0x88] =	vst.msk $0xffff, v5  }
0x91: {  	v3 =	vld [tilespmem:s2+$0x50];
	[tilespmem:s6+$0xFFFF8080 ss:$0x88] =	vst.msk $0xffff, v6  }
0x92: {  	v4 =	vld [tilespmem:s2+$0x60];
	[tilespmem:s6+$0xFFFF8900 ss:$0x88] =	vst.msk $0xffff, v7  }
0x93: {  	[tilespmem:s6+$0xFFFF9180 ss:$0x88] =	vst.msk $0xffff, v1  }
0x94: {  	[tilespmem:s6+$0xFFFF9A00 ss:$0x88] =	vst.msk $0xffff, v0  }
0x95: {  	p3 =	sgt.s32 s26, $0x100;
	[tilespmem:s6+$0xFFFFA280 ss:$0x88] =	vst.msk $0xffff, v2  }
.Ltmp9:
0x96: {  	[tilespmem:s6+$0xFFFFAB00 ss:$0x88] =	vst.msk $0xffff, v3;
	(pc) =	sbr.rel @!p3 .LBB1_8-.Ltmp9, $4  }
0x97: {  	[tilespmem:s6+$0xFFFFB380 ss:$0x88] =	vst.msk $0xffff, v4  }
0x98: {  	[tilespmem:s6+$0xFFFFBC00 ss:$0x88] =	vst.msk $0xffff, v5  }
0x99: {  	[tilespmem:s6+$0xFFFFC480 ss:$0x88] =	vst.msk $0xffff, v6  }
0x9a: {  	s7 =	simm.s32 $0x100;
	[tilespmem:s6+$0xFFFFCD00 ss:$0x88] =	vst.msk $0xffff, v7  }
.LBB1_7:
0x9b: {  	v5 =	vld [tilespmem:s2+$0x70];
	s7 =	sadd.s32 $0x100, s7;
	[tilespmem:s6+$0xFFFFD580 ss:$0x88] =	vst.msk $0xffff, v1  }
0x9c: {  	v6 =	vld [tilespmem:s2+$0x0];
	p3 =	slt.s32 s7, s26;
	[tilespmem:s6+$0xFFFFDE00 ss:$0x88] =	vst.msk $0xffff, v0  }
0x9d: {  	v7 =	vld [tilespmem:s2+$0x10];
	[tilespmem:s6+$0xFFFFE680 ss:$0x88] =	vst.msk $0xffff, v2  }
0x9e: {  	v1 =	vld [tilespmem:s2+$0x20];
	[tilespmem:s6+$0xFFFFEF00 ss:$0x88] =	vst.msk $0xffff, v3  }
0x9f: {  	v0 =	vld [tilespmem:s2+$0x30];
	[tilespmem:s6+$0xFFFFF780 ss:$0x88] =	vst.msk $0xffff, v4;
	s6 =	sadd.s32 $0x8800, s6  }
0xa0: {  	v2 =	vld [tilespmem:s2+$0x40];
	[tilespmem:s6+$0x0 ss:$0x88] =	vst.msk $0xffff, v5  }
0xa1: {  	[tilespmem:s6+$0xFFFF8080 ss:$0x88] =	vst.msk $0xffff, v6;
	v3 =	vld [tilespmem:s2+$0x50]  }
0xa2: {  	[tilespmem:s6+$0xFFFF8900 ss:$0x88] =	vst.msk $0xffff, v7;
	v4 =	vld [tilespmem:s2+$0x60]  }
0xa3: {  	[tilespmem:s6+$0xFFFF9180 ss:$0x88] =	vst.msk $0xffff, v1  }
0xa4: {  	[tilespmem:s6+$0xFFFF9A00 ss:$0x88] =	vst.msk $0xffff, v0  }
0xa5: {  	[tilespmem:s6+$0xFFFFA280 ss:$0x88] =	vst.msk $0xffff, v2  }
.Ltmp10:
0xa6: {  	[tilespmem:s6+$0xFFFFAB00 ss:$0x88] =	vst.msk $0xffff, v3;
	(pc) =	sbr.rel @p3 .LBB1_7-.Ltmp10, $4  }
0xa7: {  	[tilespmem:s6+$0xFFFFB380 ss:$0x88] =	vst.msk $0xffff, v4  }
0xa8: {  	[tilespmem:s6+$0xFFFFBC00 ss:$0x88] =	vst.msk $0xffff, v5  }
0xa9: {  	[tilespmem:s6+$0xFFFFC480 ss:$0x88] =	vst.msk $0xffff, v6  }
0xaa: {  	[tilespmem:s6+$0xFFFFCD00 ss:$0x88] =	vst.msk $0xffff, v7  }
.LBB1_8:
0xab: {  	[tilespmem:s6+$0xFFFFD580 ss:$0x88] =	vst.msk $0xffff, v1  }
0xac: {  	[tilespmem:s6+$0xFFFFDE00 ss:$0x88] =	vst.msk $0xffff, v0  }
0xad: {  	[tilespmem:s6+$0xFFFFE680 ss:$0x88] =	vst.msk $0xffff, v2  }
0xae: {  	[tilespmem:s6+$0xFFFFEF00 ss:$0x88] =	vst.msk $0xffff, v3  }
0xaf: {  	[tilespmem:s6+$0xFFFFF780 ss:$0x88] =	vst.msk $0xffff, v4  }
.LBB1_9:
.Ltmp11:
0xb0: {  	(pc) =	sbr.rel @p2 .LBB1_12-.Ltmp11, $1  }
0xb1: {  	_ =	sdelay $0x3  }
0xb2: {  	s4 =	sand.u32 $0x380, s4  }
0xb3: {  	s2 =	sadd.s32 s3, s8;
	s3 =	sadd.s32 s4, s1;
	s4 =	smov.u32 s26  }
.LBB1_11:
0xb4: {  	s6 =	sand.u32 $0x40, s4  }
0xb5: {  	s7 =	sand.u32 $0x30, s4;
	s6 =	sadd.s32 s6, s3  }
0xb6: {  	s4 =	sadd.s32 $0x10, s4;
	s6 =	sadd.s32 s7, s6  }
0xb7: {  	p3 =	slt.s32 s4, s25;
	v0 =	vld [tilespmem:s6+$0x0]  }
.Ltmp12:
0xb8: {  	_ = 	snop;
	(pc) =	sbr.rel @p3 .LBB1_11-.Ltmp12, $2  }
0xb9: {  	_ =	sdelay $0x2  }
0xba: {  	[tilespmem:s2+$0x0 ss:$0x88] =	vst.msk $0xffff, v0;
	s2 =	sadd.s32 $0x880, s2  }
.Ltmp13:
0xbb: {  	_ = 	snop;
	(pc) =	sbr.rel .LBB1_12-.Ltmp13, $1  }
0xbc: {  	_ =	sdelay $0x3  }
.LBB1_16:
0xbd: {  	_ =	sfence.sel $0x180000  }
0xbe: {  	s0 =	simm.s32 $0x1;
	[bflag:$0x0] =	sbarrier.arrive $0xFFFF  }
0xbf: {  	s30 =	simm.s32 $0x2;
	[sflag:s0] =	ssyncpa.u1 $0x1  }
0xc0: {  	[sflag:s30] =	ssyncpa.u1 $0x1  }
0xc1: {  	_ =	strace $0x9000004A  }
0xc2: {  	s31 =	stileid.u32;
	[bflag:$0x2] =	sbarrier.arrive $0xFFFF  }
0xc3: {  	p0 =	sne.s32 s31, $0x0;
	s0 =	rddreg [dreg:$0x1]  }
0xc4: {  	s0 =	sadd.s32 @!p0 $0x100000, s0  }
0xc5: {  	[sflag:s0] =	ssyncadd.tile.s32 @!p0 $0x1;
	_ =	shalt  }
.Lfunc_end1:
_tile_overlayer_lowered:
.L_overlay_start_2:
0xc6: {  	(tag) =	ssettag $0x2  }
0xc7: {  	s0 =	rddreg [dreg:$0x0];
	s2 =	stileid.u32  }
0xc8: {  	s1 =	rddreg [dreg:$0x1];
	p0 =	sne.s32 s2, $0x0  }
0xc9: {  	s3 =	rddreg [dreg:$0x2];
	[bflag:$0x3] =	sbarrier.arrive $0xFFFF;
	s2 =	simm.s32 @!p0 $0x1C01  }
0xca: {  	[timem:s3], [sflag:s2] =	dma.local @!p0 [hbm:s0], s1  }
0xcb: {  	s0 =	simm.s32 @!p0 $0x1  }
0xcc: {  	_ =	swait.ge @!p0 [sflag:s0], s1  }
0xcd: {  	s1 =	ssub.s32 @!p0 $0x0, s1;
	[sflag:s0] =	ssyncset.done @!p0 $0x0  }
0xce: {  	[sflag:s0] =	ssyncadd.s32 @!p0 s1  }
0xcf: {  	[bflag:$0x3] =	sbarrier.arrive $0xFFFF  }
0xd0: {  	_ =	shalt  }

</sc_bundles>
